<compile_context>
chip_gen: v7x
topology: tpu7x:2x2x1
jax: 0.10.2.dev20260603
libtpu: 0.0.44.dev20260713+nightly
codegen_flags: <defaults>
</compile_context>

<pallas_src>
import jax
import jax.numpy as jnp
from jax import lax
from jax.experimental import pallas as pl
from jax.experimental.pallas import tpu as pltpu
from jax.experimental.pallas import tpu_sc as plsc

N = 10000
D = 128
E = 320000

N_PAD = 10240
NW = 32
CHUNK = 128
CPT = 80
PHASE = CPT // 2
E_PAD = NW * CPT * CHUNK
ROWS_PER_TILE = N_PAD // 16
DEG_W = 128
TC_BLOCK = 400
N_TC_BLOCKS = N // TC_BLOCK

_MESH = plsc.VectorSubcoreMesh(
    core_axis_name="c", subcore_axis_name="s", num_cores=2, num_subcores=16)



def _sc_degree_body(dst_hbm, zeros_hbm, ones_hbm, out_hbm, deg_sp, idx_v, ones_v,
                    sem):
    c = lax.axis_index("c")
    s = lax.axis_index("s")
    wid = s * 2 + c
    r0 = s * ROWS_PER_TILE
    pltpu.sync_copy(zeros_hbm.at[pl.ds(r0, ROWS_PER_TILE)],
                    deg_sp.at[pl.ds(r0, ROWS_PER_TILE)])
    pltpu.sync_copy(ones_hbm, ones_v)
    pltpu.sync_copy(dst_hbm.at[wid], idx_v)
    plsc.subcore_barrier()

    def body(j, carry):
        pltpu.async_copy(ones_v, deg_sp.at[idx_v.at[j]], sem, add=True)
        return carry

    lax.fori_loop(0, CPT, body, 0)

    def drain(j, carry):
        pltpu.make_async_copy(ones_v, deg_sp.at[idx_v.at[j]], sem).wait()
        return carry

    lax.fori_loop(0, CPT, drain, 0)
    plsc.subcore_barrier()
    pltpu.sync_copy(deg_sp.at[pl.ds(r0, ROWS_PER_TILE)],
                    out_hbm.at[c, pl.ds(r0, ROWS_PER_TILE)])


_sc_degree = pl.kernel(
    _sc_degree_body,
    out_type=jax.ShapeDtypeStruct((2, N_PAD, DEG_W), jnp.float32),
    mesh=_MESH,
    scratch_types=[
        pltpu.VMEM_SHARED((N_PAD, DEG_W), jnp.float32),
        pltpu.VMEM((CPT, CHUNK), jnp.int32),
        pltpu.VMEM((CHUNK, DEG_W), jnp.float32),
        pltpu.SemaphoreType.DMA,
    ],
)


def _sc_prop_body(hs_hbm, src_hbm, dst_hbm, zeros_hbm, out_hbm,
                  agg_sp, src_v, dst_v, rows_v, sem_g, sem_s):
    c = lax.axis_index("c")
    s = lax.axis_index("s")
    wid = s * 2 + c
    r0 = s * ROWS_PER_TILE
    pltpu.sync_copy(zeros_hbm.at[pl.ds(r0, ROWS_PER_TILE)],
                    agg_sp.at[pl.ds(r0, ROWS_PER_TILE)])
    plsc.subcore_barrier()

    for p in range(2):
        pltpu.sync_copy(src_hbm.at[wid, pl.ds(p * PHASE, PHASE)], src_v)
        pltpu.sync_copy(dst_hbm.at[wid, pl.ds(p * PHASE, PHASE)], dst_v)
        pltpu.async_copy(hs_hbm.at[src_v.at[0]], rows_v.at[0], sem_g.at[0])

        def body(g, carry):
            b = lax.rem(g, 2)
            nb = 1 - b

            @pl.when(g >= 1)
            def _():
                pltpu.make_async_copy(rows_v.at[nb],
                                      agg_sp.at[dst_v.at[g - 1]],
                                      sem_s.at[nb]).wait()

            @pl.when(g + 1 < PHASE)
            def _():
                pltpu.async_copy(hs_hbm.at[src_v.at[g + 1]], rows_v.at[nb],
                                 sem_g.at[nb])

            pltpu.make_async_copy(hs_hbm.at[src_v.at[g]], rows_v.at[b],
                                  sem_g.at[b]).wait()
            pltpu.async_copy(rows_v.at[b], agg_sp.at[dst_v.at[g]],
                             sem_s.at[b], add=True)
            return carry

        lax.fori_loop(0, PHASE, body, 0)
        last = PHASE - 1
        pltpu.make_async_copy(rows_v.at[last % 2],
                              agg_sp.at[dst_v.at[last]],
                              sem_s.at[last % 2]).wait()
    plsc.subcore_barrier()
    pltpu.sync_copy(agg_sp.at[pl.ds(r0, ROWS_PER_TILE)],
                    out_hbm.at[c, pl.ds(r0, ROWS_PER_TILE)])


_sc_prop = pl.kernel(
    _sc_prop_body,
    out_type=jax.ShapeDtypeStruct((2, N_PAD, D), jnp.float32),
    mesh=_MESH,
    scratch_types=[
        pltpu.VMEM_SHARED((N_PAD, D), jnp.float32),
        pltpu.VMEM((PHASE, CHUNK), jnp.int32),
        pltpu.VMEM((PHASE, CHUNK), jnp.int32),
        pltpu.VMEM((2, CHUNK, D), jnp.float32),
        pltpu.SemaphoreType.DMA((2,)),
        pltpu.SemaphoreType.DMA((2,)),
    ],
)



def _tc_mm1_body(x_ref, w_ref, deg_ref, out_ref, dis_ref):
    d = deg_ref[0, :, 0:1] + deg_ref[1, :, 0:1] + 1.0
    dis = lax.rsqrt(d)
    h = jnp.dot(x_ref[...], w_ref[...], preferred_element_type=jnp.float32)
    out_ref[...] = h * dis
    dis_ref[...] = jnp.broadcast_to(dis, (TC_BLOCK, 8))


def _tc_mm2_body(p_ref, hs_ref, dis_ref, b_ref, w_ref, out_ref):
    dis = dis_ref[:, 0:1]
    t = dis * (p_ref[0] + p_ref[1] + hs_ref[...]) + b_ref[...]
    t = jnp.maximum(t, 0.0)
    h = jnp.dot(t, w_ref[...], preferred_element_type=jnp.float32)
    out_ref[...] = h * dis


def _tc_comb_body(p_ref, hs_ref, dis_ref, b_ref, out_ref):
    dis = dis_ref[:, 0:1]
    out_ref[...] = dis * (p_ref[0] + p_ref[1] + hs_ref[...]) + b_ref[...]


_row_spec = pl.BlockSpec((TC_BLOCK, D), lambda i: (i, 0))
_w_spec = pl.BlockSpec((D, D), lambda i: (0, 0))
_deg_spec = pl.BlockSpec((2, TC_BLOCK, DEG_W), lambda i: (0, i, 0))
_dis_spec = pl.BlockSpec((TC_BLOCK, 8), lambda i: (i, 0))
_p_spec = pl.BlockSpec((2, TC_BLOCK, D), lambda i: (0, i, 0))
_b_spec = pl.BlockSpec((1, D), lambda i: (0, 0))
_row_out = jax.ShapeDtypeStruct((N, D), jnp.float32)
_dis_out = jax.ShapeDtypeStruct((N, 8), jnp.float32)

_tc_mm1 = pl.pallas_call(
    _tc_mm1_body,
    grid=(N_TC_BLOCKS,),
    in_specs=[_row_spec, _w_spec, _deg_spec],
    out_specs=[_row_spec, _dis_spec],
    out_shape=[_row_out, _dis_out],
)

_tc_mm2 = pl.pallas_call(
    _tc_mm2_body,
    grid=(N_TC_BLOCKS,),
    in_specs=[_p_spec, _row_spec, _dis_spec, _b_spec, _w_spec],
    out_specs=_row_spec,
    out_shape=_row_out,
)

_tc_comb = pl.pallas_call(
    _tc_comb_body,
    grid=(N_TC_BLOCKS,),
    in_specs=[_p_spec, _row_spec, _dis_spec, _b_spec],
    out_specs=_row_spec,
    out_shape=_row_out,
)



@jax.jit
def kernel(x, edge_index, W1, b1, W2, b2):
    src = edge_index[0]
    dst = edge_index[1]
    pad = E_PAD - E
    pad_iota = jnp.arange(pad, dtype=jnp.int32)
    src_p = jnp.concatenate(
        [src, (pad_iota * 37) % N]).reshape(NW, CPT, CHUNK)
    dst_p = jnp.concatenate(
        [dst, N + pad_iota % (N_PAD - N)]).reshape(NW, CPT, CHUNK)
    ones_pay = jnp.ones((CHUNK, DEG_W), jnp.float32)
    zeros_tbl = jnp.zeros((N_PAD, D), jnp.float32)

    deg = _sc_degree(dst_p, zeros_tbl, ones_pay)

    hs1, dis8 = _tc_mm1(x, W1, deg)
    p1 = _sc_prop(hs1, src_p, dst_p, zeros_tbl)
    hs2 = _tc_mm2(p1, hs1, dis8, b1.reshape(1, D), W2)
    p2 = _sc_prop(hs2, src_p, dst_p, zeros_tbl)
    return _tc_comb(p2, hs2, dis8, b2.reshape(1, D))

# --- scband reference (transcript-rebuilt; emitter-appended) ---
"""Pipeline reference for scband-combined-hidden-gcvaedecoder-38886633898289 (READ-ONLY COPY).

The authoritative reference and input builder live on the scoring server;
editing this copy changes nothing except your own understanding.
"""

import jax, jax.numpy as jnp
import numpy as np

N = 10000
E = 320000
D_IN = 128
D_HID = 128
D_OUT = 128


def setup_inputs(seed: int = 0) -> dict:
    key = jax.random.key(seed)
    k1, k2, k3, k4, k5, k6 = jax.random.split(key, 6)
    x = jax.random.normal(k1, (N, D_IN), dtype=jnp.float32)
    edge_index = jax.random.randint(k2, (2, E), 0, N, dtype=jnp.int32)
    W1 = jax.random.normal(k3, (D_IN, D_HID), dtype=jnp.float32) * (1.0 / np.sqrt(D_IN))
    b1 = jnp.zeros((D_HID,), dtype=jnp.float32)
    W2 = jax.random.normal(k4, (D_HID, D_OUT), dtype=jnp.float32) * (1.0 / np.sqrt(D_HID))
    b2 = jnp.zeros((D_OUT,), dtype=jnp.float32)
    return {"x": x, "edge_index": edge_index, "W1": W1, "b1": b1, "W2": W2, "b2": b2}


def _gcn_conv(x, edge_index, W, b):
    # PyG GCNConv with add_self_loops=True and symmetric normalization:
    #   out = D^{-1/2} (A + I) D^{-1/2} (X W) + b
    num_nodes = x.shape[0]
    src = edge_index[0]
    dst = edge_index[1]
    loop = jnp.arange(num_nodes, dtype=src.dtype)
    src = jnp.concatenate([src, loop])
    dst = jnp.concatenate([dst, loop])
    ones = jnp.ones(src.shape[0], dtype=x.dtype)
    deg = jax.ops.segment_sum(ones, dst, num_segments=num_nodes)
    deg_inv_sqrt = jnp.where(deg > 0, jax.lax.rsqrt(jnp.maximum(deg, 1e-12)), 0.0)
    norm = deg_inv_sqrt[src] * deg_inv_sqrt[dst]
    h = x @ W
    msg = h[src] * norm[:, None]
    out = jax.ops.segment_sum(msg, dst, num_segments=num_nodes)
    return out + b


def reference(x, edge_index, W1, b1, W2, b2):
    h = jax.nn.relu(_gcn_conv(x, edge_index, W1, b1))
    out = _gcn_conv(h, edge_index, W2, b2)
    return out

if __name__ == "__main__":
    import jax
    _d = setup_inputs()
    print(jax.jit(kernel)(*tuple(_d.values())))

</pallas_src>

<mosaic_0001>
#map = affine_map<(d0, d1) -> (0, 0, 0)>
#map1 = affine_map<(d0, d1) -> (0, 0)>
module attributes {stable_mosaic.version = 14 : i64} {
  func.func @_sc_degree_body(%arg0: i32, %arg1: i32, %arg2: memref<32x80x128xi32, #tpu.memory_space<hbm>>, %arg3: memref<10240x128xf32, #tpu.memory_space<hbm>>, %arg4: memref<128x128xf32, #tpu.memory_space<hbm>>, %arg5: memref<2x10240x128xf32, #tpu.memory_space<hbm>>, %arg6: memref<10240x128xf32, #tpu.memory_space<vmem_shared>>, %arg7: memref<80x128xi32, #tpu.memory_space<vmem>>, %arg8: memref<128x128xf32, #tpu.memory_space<vmem>>, %arg9: memref<!tpu.dma_semaphore, #tpu.memory_space<semaphore_mem>>) attributes {dimension_semantics = [#tpu.dimension_semantics<core_parallel>, #tpu.dimension_semantics<subcore_parallel>], iteration_bounds = array<i64: 2, 16>, scalar_prefetch = 0 : i64, scratch_operands = 4 : i64, tpu.core_type = #tpu.core_type<sc_vector_subcore>, window_params = [{transform_indices = #map}, {transform_indices = #map1}, {transform_indices = #map1}, {transform_indices = #map}]} {
    %mul3A = arith.constant 2 : i32
    %mul3A_0 = arith.muli %arg1, %mul3A : i32
    %add3A = arith.addi %mul3A_0, %arg0 : i32
    %mul3A_1 = arith.constant 640 : i32
    %mul3A_2 = arith.muli %arg1, %mul3A_1 : i32
    "tpu.region"() ({
      %run_scoped3A = tpu.sem_alloc : memref<!tpu.dma_semaphore, #tpu.memory_space<semaphore_mem>>
      %dma_start3A = arith.constant 0 : i32
      %dma_start3A_15 = tpu.memref_slice %arg6[%mul3A_2, %dma_start3A] : memref<10240x128xf32, #tpu.memory_space<vmem_shared>> -> memref<640x128xf32, #tpu.memory_space<vmem_shared>>
      %dma_start3A_16 = arith.constant 0 : i32
      %dma_start3A_17 = tpu.memref_slice %arg3[%mul3A_2, %dma_start3A_16] : memref<10240x128xf32, #tpu.memory_space<hbm>> -> memref<640x128xf32, #tpu.memory_space<hbm>>
      tpu.enqueue_dma source(%dma_start3A_17 : memref<640x128xf32, #tpu.memory_space<hbm>>) target(%dma_start3A_15 : memref<640x128xf32, #tpu.memory_space<vmem_shared>>) target_semaphore(%run_scoped3A : memref<!tpu.dma_semaphore, #tpu.memory_space<semaphore_mem>>)
      %dma_wait3A = arith.constant 0 : i32
      %dma_wait3A_18 = tpu.memref_slice %arg6[%mul3A_2, %dma_wait3A] : memref<10240x128xf32, #tpu.memory_space<vmem_shared>> -> memref<640x128xf32, #tpu.memory_space<vmem_shared>>
      %dma_wait3A_19 = arith.constant 0 : i32
      %dma_wait3A_20 = tpu.memref_slice %arg3[%mul3A_2, %dma_wait3A_19] : memref<10240x128xf32, #tpu.memory_space<hbm>> -> memref<640x128xf32, #tpu.memory_space<hbm>>
      tpu.wait_dma2 semaphore(%run_scoped3A : memref<!tpu.dma_semaphore, #tpu.memory_space<semaphore_mem>>) src(%dma_wait3A_20 : memref<640x128xf32, #tpu.memory_space<hbm>>) dst(%dma_wait3A_18 : memref<640x128xf32, #tpu.memory_space<vmem_shared>>)
      tpu.yield
    }) : () -> ()
    "tpu.region"() ({
      %run_scoped3A = tpu.sem_alloc : memref<!tpu.dma_semaphore, #tpu.memory_space<semaphore_mem>>
      tpu.enqueue_dma source(%arg4 : memref<128x128xf32, #tpu.memory_space<hbm>>) target(%arg8 : memref<128x128xf32, #tpu.memory_space<vmem>>) target_semaphore(%run_scoped3A : memref<!tpu.dma_semaphore, #tpu.memory_space<semaphore_mem>>)
      tpu.wait_dma2 semaphore(%run_scoped3A : memref<!tpu.dma_semaphore, #tpu.memory_space<semaphore_mem>>) src(%arg4 : memref<128x128xf32, #tpu.memory_space<hbm>>) dst(%arg8 : memref<128x128xf32, #tpu.memory_space<vmem>>)
      tpu.yield
    }) : () -> ()
    "tpu.region"() ({
      %run_scoped3A = tpu.sem_alloc : memref<!tpu.dma_semaphore, #tpu.memory_space<semaphore_mem>>
      %dma_start3A = arith.constant 0 : i32
      %dma_start3A_15 = arith.constant 0 : i32
      %dma_start3A_16 = tpu.memref_slice %arg2[%add3A, %dma_start3A, %dma_start3A_15] : memref<32x80x128xi32, #tpu.memory_space<hbm>> -> memref<1x80x128xi32, #tpu.memory_space<hbm>>
      %dma_start3A_17 = tpu.memref_squeeze %dma_start3A_16 : memref<1x80x128xi32, #tpu.memory_space<hbm>> -> memref<80x128xi32, #tpu.memory_space<hbm>>
      %dma_start3A_18 = arith.constant 0 : i32
      %dma_start3A_19 = arith.constant 0 : i32
      %dma_start3A_20 = tpu.memref_slice %arg2[%add3A, %dma_start3A_18, %dma_start3A_19] : memref<32x80x128xi32, #tpu.memory_space<hbm>> -> memref<1x80x128xi32, #tpu.memory_space<hbm>>
      %dma_start3A_21 = tpu.memref_squeeze %dma_start3A_20 : memref<1x80x128xi32, #tpu.memory_space<hbm>> -> memref<80x128xi32, #tpu.memory_space<hbm>>
      tpu.enqueue_dma source(%dma_start3A_21 : memref<80x128xi32, #tpu.memory_space<hbm>>) target(%arg7 : memref<80x128xi32, #tpu.memory_space<vmem>>) target_semaphore(%run_scoped3A : memref<!tpu.dma_semaphore, #tpu.memory_space<semaphore_mem>>)
      %dma_wait3A = arith.constant 0 : i32
      %dma_wait3A_22 = arith.constant 0 : i32
      %dma_wait3A_23 = tpu.memref_slice %arg2[%add3A, %dma_wait3A, %dma_wait3A_22] : memref<32x80x128xi32, #tpu.memory_space<hbm>> -> memref<1x80x128xi32, #tpu.memory_space<hbm>>
      %dma_wait3A_24 = tpu.memref_squeeze %dma_wait3A_23 : memref<1x80x128xi32, #tpu.memory_space<hbm>> -> memref<80x128xi32, #tpu.memory_space<hbm>>
      %dma_wait3A_25 = arith.constant 0 : i32
      %dma_wait3A_26 = arith.constant 0 : i32
      %dma_wait3A_27 = tpu.memref_slice %arg2[%add3A, %dma_wait3A_25, %dma_wait3A_26] : memref<32x80x128xi32, #tpu.memory_space<hbm>> -> memref<1x80x128xi32, #tpu.memory_space<hbm>>
      %dma_wait3A_28 = tpu.memref_squeeze %dma_wait3A_27 : memref<1x80x128xi32, #tpu.memory_space<hbm>> -> memref<80x128xi32, #tpu.memory_space<hbm>>
      tpu.wait_dma2 semaphore(%run_scoped3A : memref<!tpu.dma_semaphore, #tpu.memory_space<semaphore_mem>>) src(%dma_wait3A_28 : memref<80x128xi32, #tpu.memory_space<hbm>>) dst(%arg7 : memref<80x128xi32, #tpu.memory_space<vmem>>)
      tpu.yield
    }) : () -> ()
    %barrier3A = arith.constant 0 : index
    tpu.barrier barrier_id(%barrier3A)
    %scan3A = arith.constant 0 : i32
    %scan3A_3 = arith.constant 0 : i32
    %scan3A_4 = arith.constant 80 : i32
    %scan3A_5 = arith.addi %scan3A_3, %scan3A_4 : i32
    %scan3A_6 = arith.constant 1 : i32
    scf.for %scan3A_15 = %scan3A_3 to %scan3A_5 step %scan3A_6  : i32 {
      %dma_start3A = arith.constant 0 : i32
      %dma_start3A_16 = tpu.memref_slice %arg7[%scan3A_15, %dma_start3A] : memref<80x128xi32, #tpu.memory_space<vmem>> -> memref<1x128xi32, #tpu.memory_space<vmem>>
      %dma_start3A_17 = tpu.memref_squeeze %dma_start3A_16 : memref<1x128xi32, #tpu.memory_space<vmem>> -> memref<128xi32, #tpu.memory_space<vmem>>
      %dma_start3A_18 = arith.constant 0 : i32
      %dma_start3A_19 = arith.constant 0 : i32
      %dma_start3A_20 = tpu.memref_slice %arg6[%dma_start3A_18, %dma_start3A_19] : memref<10240x128xf32, #tpu.memory_space<vmem_shared>> -> memref<10240x128xf32, #tpu.memory_space<vmem_shared>>
      tpu.enqueue_indirect_dma source(%arg8 : memref<128x128xf32, #tpu.memory_space<vmem>>) target(%dma_start3A_20 : memref<10240x128xf32, #tpu.memory_space<vmem_shared>>) offsets(%dma_start3A_17 : memref<128xi32, #tpu.memory_space<vmem>>) semaphore(%arg9 : memref<!tpu.dma_semaphore, #tpu.memory_space<semaphore_mem>>) {add = true}
    }
    %scan3A_7 = arith.constant 80 : i32
    %scan3A_8 = arith.constant 0 : i32
    %scan3A_9 = arith.constant 0 : i32
    %scan3A_10 = arith.constant 80 : i32
    %scan3A_11 = arith.addi %scan3A_9, %scan3A_10 : i32
    %scan3A_12 = arith.constant 1 : i32
    scf.for %scan3A_15 = %scan3A_9 to %scan3A_11 step %scan3A_12  : i32 {
      %dma_wait3A = arith.constant 0 : i32
      %dma_wait3A_16 = tpu.memref_slice %arg7[%scan3A_15, %dma_wait3A] : memref<80x128xi32, #tpu.memory_space<vmem>> -> memref<1x128xi32, #tpu.memory_space<vmem>>
      %dma_wait3A_17 = tpu.memref_squeeze %dma_wait3A_16 : memref<1x128xi32, #tpu.memory_space<vmem>> -> memref<128xi32, #tpu.memory_space<vmem>>
      %dma_wait3A_18 = arith.constant 0 : i32
      %dma_wait3A_19 = arith.constant 0 : i32
      %dma_wait3A_20 = tpu.memref_slice %arg6[%dma_wait3A_18, %dma_wait3A_19] : memref<10240x128xf32, #tpu.memory_space<vmem_shared>> -> memref<10240x128xf32, #tpu.memory_space<vmem_shared>>
      tpu.wait_indirect_dma semaphore(%arg9 : memref<!tpu.dma_semaphore, #tpu.memory_space<semaphore_mem>>) src(%arg8 : memref<128x128xf32, #tpu.memory_space<vmem>>) dst(%dma_wait3A_20 : memref<10240x128xf32, #tpu.memory_space<vmem_shared>>)
    }
    %scan3A_13 = arith.constant 80 : i32
    %barrier3A_14 = arith.constant 0 : index
    tpu.barrier barrier_id(%barrier3A_14)
    "tpu.region"() ({
      %run_scoped3A = tpu.sem_alloc : memref<!tpu.dma_semaphore, #tpu.memory_space<semaphore_mem>>
      %dma_start3A = arith.constant 0 : i32
      %dma_start3A_15 = tpu.memref_slice %arg5[%arg0, %mul3A_2, %dma_start3A] : memref<2x10240x128xf32, #tpu.memory_space<hbm>> -> memref<1x640x128xf32, #tpu.memory_space<hbm>>
      %dma_start3A_16 = tpu.memref_squeeze %dma_start3A_15 : memref<1x640x128xf32, #tpu.memory_space<hbm>> -> memref<640x128xf32, #tpu.memory_space<hbm>>
      %dma_start3A_17 = arith.constant 0 : i32
      %dma_start3A_18 = tpu.memref_slice %arg6[%mul3A_2, %dma_start3A_17] : memref<10240x128xf32, #tpu.memory_space<vmem_shared>> -> memref<640x128xf32, #tpu.memory_space<vmem_shared>>
      tpu.enqueue_dma source(%dma_start3A_18 : memref<640x128xf32, #tpu.memory_space<vmem_shared>>) target(%dma_start3A_16 : memref<640x128xf32, #tpu.memory_space<hbm>>) target_semaphore(%run_scoped3A : memref<!tpu.dma_semaphore, #tpu.memory_space<semaphore_mem>>)
      %dma_wait3A = arith.constant 0 : i32
      %dma_wait3A_19 = tpu.memref_slice %arg5[%arg0, %mul3A_2, %dma_wait3A] : memref<2x10240x128xf32, #tpu.memory_space<hbm>> -> memref<1x640x128xf32, #tpu.memory_space<hbm>>
      %dma_wait3A_20 = tpu.memref_squeeze %dma_wait3A_19 : memref<1x640x128xf32, #tpu.memory_space<hbm>> -> memref<640x128xf32, #tpu.memory_space<hbm>>
      %dma_wait3A_21 = arith.constant 0 : i32
      %dma_wait3A_22 = tpu.memref_slice %arg6[%mul3A_2, %dma_wait3A_21] : memref<10240x128xf32, #tpu.memory_space<vmem_shared>> -> memref<640x128xf32, #tpu.memory_space<vmem_shared>>
      tpu.wait_dma2 semaphore(%run_scoped3A : memref<!tpu.dma_semaphore, #tpu.memory_space<semaphore_mem>>) src(%dma_wait3A_22 : memref<640x128xf32, #tpu.memory_space<vmem_shared>>) dst(%dma_wait3A_20 : memref<640x128xf32, #tpu.memory_space<hbm>>)
      tpu.yield
    }) : () -> ()
    return
  }
}

#map = affine_map<(d0, d1) -> (0, 0)>
#map1 = affine_map<(d0, d1) -> (0, 0, 0)>
module attributes {stable_mosaic.version = 14 : i64} {
  func.func @_sc_prop_body(%arg0: i32, %arg1: i32, %arg2: memref<10000x128xf32, #tpu.memory_space<hbm>>, %arg3: memref<32x80x128xi32, #tpu.memory_space<hbm>>, %arg4: memref<32x80x128xi32, #tpu.memory_space<hbm>>, %arg5: memref<10240x128xf32, #tpu.memory_space<hbm>>, %arg6: memref<2x10240x128xf32, #tpu.memory_space<hbm>>, %arg7: memref<10240x128xf32, #tpu.memory_space<vmem_shared>>, %arg8: memref<40x128xi32, #tpu.memory_space<vmem>>, %arg9: memref<40x128xi32, #tpu.memory_space<vmem>>, %arg10: memref<2x128x128xf32, #tpu.memory_space<vmem>>, %arg11: memref<2x!tpu.dma_semaphore, #tpu.memory_space<semaphore_mem>>, %arg12: memref<2x!tpu.dma_semaphore, #tpu.memory_space<semaphore_mem>>) attributes {dimension_semantics = [#tpu.dimension_semantics<core_parallel>, #tpu.dimension_semantics<subcore_parallel>], iteration_bounds = array<i64: 2, 16>, scalar_prefetch = 0 : i64, scratch_operands = 6 : i64, tpu.core_type = #tpu.core_type<sc_vector_subcore>, window_params = [{transform_indices = #map}, {transform_indices = #map1}, {transform_indices = #map1}, {transform_indices = #map}, {transform_indices = #map1}]} {
    %mul3A = arith.constant 2 : i32
    %mul3A_0 = arith.muli %arg1, %mul3A : i32
    %add3A = arith.addi %mul3A_0, %arg0 : i32
    %mul3A_1 = arith.constant 640 : i32
    %mul3A_2 = arith.muli %arg1, %mul3A_1 : i32
    "tpu.region"() ({
      %run_scoped3A = tpu.sem_alloc : memref<!tpu.dma_semaphore, #tpu.memory_space<semaphore_mem>>
      %dma_start3A_73 = arith.constant 0 : i32
      %dma_start3A_74 = tpu.memref_slice %arg7[%mul3A_2, %dma_start3A_73] : memref<10240x128xf32, #tpu.memory_space<vmem_shared>> -> memref<640x128xf32, #tpu.memory_space<vmem_shared>>
      %dma_start3A_75 = arith.constant 0 : i32
      %dma_start3A_76 = tpu.memref_slice %arg5[%mul3A_2, %dma_start3A_75] : memref<10240x128xf32, #tpu.memory_space<hbm>> -> memref<640x128xf32, #tpu.memory_space<hbm>>
      tpu.enqueue_dma source(%dma_start3A_76 : memref<640x128xf32, #tpu.memory_space<hbm>>) target(%dma_start3A_74 : memref<640x128xf32, #tpu.memory_space<vmem_shared>>) target_semaphore(%run_scoped3A : memref<!tpu.dma_semaphore, #tpu.memory_space<semaphore_mem>>)
      %dma_wait3A_77 = arith.constant 0 : i32
      %dma_wait3A_78 = tpu.memref_slice %arg7[%mul3A_2, %dma_wait3A_77] : memref<10240x128xf32, #tpu.memory_space<vmem_shared>> -> memref<640x128xf32, #tpu.memory_space<vmem_shared>>
      %dma_wait3A_79 = arith.constant 0 : i32
      %dma_wait3A_80 = tpu.memref_slice %arg5[%mul3A_2, %dma_wait3A_79] : memref<10240x128xf32, #tpu.memory_space<hbm>> -> memref<640x128xf32, #tpu.memory_space<hbm>>
      tpu.wait_dma2 semaphore(%run_scoped3A : memref<!tpu.dma_semaphore, #tpu.memory_space<semaphore_mem>>) src(%dma_wait3A_80 : memref<640x128xf32, #tpu.memory_space<hbm>>) dst(%dma_wait3A_78 : memref<640x128xf32, #tpu.memory_space<vmem_shared>>)
      tpu.yield
    }) : () -> ()
    %barrier3A = arith.constant 0 : index
    tpu.barrier barrier_id(%barrier3A)
    "tpu.region"() ({
      %run_scoped3A = tpu.sem_alloc : memref<!tpu.dma_semaphore, #tpu.memory_space<semaphore_mem>>
      %dma_start3A_73 = arith.constant 0 : i32
      %dma_start3A_74 = arith.constant 0 : i32
      %dma_start3A_75 = tpu.memref_slice %arg3[%add3A, %dma_start3A_73, %dma_start3A_74] : memref<32x80x128xi32, #tpu.memory_space<hbm>> -> memref<1x40x128xi32, #tpu.memory_space<hbm>>
      %dma_start3A_76 = tpu.memref_squeeze %dma_start3A_75 : memref<1x40x128xi32, #tpu.memory_space<hbm>> -> memref<40x128xi32, #tpu.memory_space<hbm>>
      %dma_start3A_77 = arith.constant 0 : i32
      %dma_start3A_78 = arith.constant 0 : i32
      %dma_start3A_79 = tpu.memref_slice %arg3[%add3A, %dma_start3A_77, %dma_start3A_78] : memref<32x80x128xi32, #tpu.memory_space<hbm>> -> memref<1x40x128xi32, #tpu.memory_space<hbm>>
      %dma_start3A_80 = tpu.memref_squeeze %dma_start3A_79 : memref<1x40x128xi32, #tpu.memory_space<hbm>> -> memref<40x128xi32, #tpu.memory_space<hbm>>
      tpu.enqueue_dma source(%dma_start3A_80 : memref<40x128xi32, #tpu.memory_space<hbm>>) target(%arg8 : memref<40x128xi32, #tpu.memory_space<vmem>>) target_semaphore(%run_scoped3A : memref<!tpu.dma_semaphore, #tpu.memory_space<semaphore_mem>>)
      %dma_wait3A_81 = arith.constant 0 : i32
      %dma_wait3A_82 = arith.constant 0 : i32
      %dma_wait3A_83 = tpu.memref_slice %arg3[%add3A, %dma_wait3A_81, %dma_wait3A_82] : memref<32x80x128xi32, #tpu.memory_space<hbm>> -> memref<1x40x128xi32, #tpu.memory_space<hbm>>
      %dma_wait3A_84 = tpu.memref_squeeze %dma_wait3A_83 : memref<1x40x128xi32, #tpu.memory_space<hbm>> -> memref<40x128xi32, #tpu.memory_space<hbm>>
      %dma_wait3A_85 = arith.constant 0 : i32
      %dma_wait3A_86 = arith.constant 0 : i32
      %dma_wait3A_87 = tpu.memref_slice %arg3[%add3A, %dma_wait3A_85, %dma_wait3A_86] : memref<32x80x128xi32, #tpu.memory_space<hbm>> -> memref<1x40x128xi32, #tpu.memory_space<hbm>>
      %dma_wait3A_88 = tpu.memref_squeeze %dma_wait3A_87 : memref<1x40x128xi32, #tpu.memory_space<hbm>> -> memref<40x128xi32, #tpu.memory_space<hbm>>
      tpu.wait_dma2 semaphore(%run_scoped3A : memref<!tpu.dma_semaphore, #tpu.memory_space<semaphore_mem>>) src(%dma_wait3A_88 : memref<40x128xi32, #tpu.memory_space<hbm>>) dst(%arg8 : memref<40x128xi32, #tpu.memory_space<vmem>>)
      tpu.yield
    }) : () -> ()
    "tpu.region"() ({
      %run_scoped3A = tpu.sem_alloc : memref<!tpu.dma_semaphore, #tpu.memory_space<semaphore_mem>>
      %dma_start3A_73 = arith.constant 0 : i32
      %dma_start3A_74 = arith.constant 0 : i32
      %dma_start3A_75 = tpu.memref_slice %arg4[%add3A, %dma_start3A_73, %dma_start3A_74] : memref<32x80x128xi32, #tpu.memory_space<hbm>> -> memref<1x40x128xi32, #tpu.memory_space<hbm>>
      %dma_start3A_76 = tpu.memref_squeeze %dma_start3A_75 : memref<1x40x128xi32, #tpu.memory_space<hbm>> -> memref<40x128xi32, #tpu.memory_space<hbm>>
      %dma_start3A_77 = arith.constant 0 : i32
      %dma_start3A_78 = arith.constant 0 : i32
      %dma_start3A_79 = tpu.memref_slice %arg4[%add3A, %dma_start3A_77, %dma_start3A_78] : memref<32x80x128xi32, #tpu.memory_space<hbm>> -> memref<1x40x128xi32, #tpu.memory_space<hbm>>
      %dma_start3A_80 = tpu.memref_squeeze %dma_start3A_79 : memref<1x40x128xi32, #tpu.memory_space<hbm>> -> memref<40x128xi32, #tpu.memory_space<hbm>>
      tpu.enqueue_dma source(%dma_start3A_80 : memref<40x128xi32, #tpu.memory_space<hbm>>) target(%arg9 : memref<40x128xi32, #tpu.memory_space<vmem>>) target_semaphore(%run_scoped3A : memref<!tpu.dma_semaphore, #tpu.memory_space<semaphore_mem>>)
      %dma_wait3A_81 = arith.constant 0 : i32
      %dma_wait3A_82 = arith.constant 0 : i32
      %dma_wait3A_83 = tpu.memref_slice %arg4[%add3A, %dma_wait3A_81, %dma_wait3A_82] : memref<32x80x128xi32, #tpu.memory_space<hbm>> -> memref<1x40x128xi32, #tpu.memory_space<hbm>>
      %dma_wait3A_84 = tpu.memref_squeeze %dma_wait3A_83 : memref<1x40x128xi32, #tpu.memory_space<hbm>> -> memref<40x128xi32, #tpu.memory_space<hbm>>
      %dma_wait3A_85 = arith.constant 0 : i32
      %dma_wait3A_86 = arith.constant 0 : i32
      %dma_wait3A_87 = tpu.memref_slice %arg4[%add3A, %dma_wait3A_85, %dma_wait3A_86] : memref<32x80x128xi32, #tpu.memory_space<hbm>> -> memref<1x40x128xi32, #tpu.memory_space<hbm>>
      %dma_wait3A_88 = tpu.memref_squeeze %dma_wait3A_87 : memref<1x40x128xi32, #tpu.memory_space<hbm>> -> memref<40x128xi32, #tpu.memory_space<hbm>>
      tpu.wait_dma2 semaphore(%run_scoped3A : memref<!tpu.dma_semaphore, #tpu.memory_space<semaphore_mem>>) src(%dma_wait3A_88 : memref<40x128xi32, #tpu.memory_space<hbm>>) dst(%arg9 : memref<40x128xi32, #tpu.memory_space<vmem>>)
      tpu.yield
    }) : () -> ()
    %dma_start3A = arith.constant 0 : i32
    %dma_start3A_3 = arith.constant 0 : i32
    %dma_start3A_4 = arith.constant 0 : i32
    %dma_start3A_5 = arith.constant 0 : i32
    %dma_start3A_6 = arith.constant 0 : i32
    %dma_start3A_7 = tpu.memref_slice %arg10[%dma_start3A_3, %dma_start3A_5, %dma_start3A_6] : memref<2x128x128xf32, #tpu.memory_space<vmem>> -> memref<1x128x128xf32, #tpu.memory_space<vmem>>
    %dma_start3A_8 = tpu.memref_squeeze %dma_start3A_7 : memref<1x128x128xf32, #tpu.memory_space<vmem>> -> memref<128x128xf32, #tpu.memory_space<vmem>>
    %dma_start3A_9 = arith.constant 0 : i32
    %dma_start3A_10 = tpu.memref_slice %arg8[%dma_start3A, %dma_start3A_9] : memref<40x128xi32, #tpu.memory_space<vmem>> -> memref<1x128xi32, #tpu.memory_space<vmem>>
    %dma_start3A_11 = tpu.memref_squeeze %dma_start3A_10 : memref<1x128xi32, #tpu.memory_space<vmem>> -> memref<128xi32, #tpu.memory_space<vmem>>
    %dma_start3A_12 = arith.constant 0 : i32
    %dma_start3A_13 = arith.constant 0 : i32
    %dma_start3A_14 = tpu.memref_slice %arg2[%dma_start3A_12, %dma_start3A_13] : memref<10000x128xf32, #tpu.memory_space<hbm>> -> memref<10000x128xf32, #tpu.memory_space<hbm>>
    %dma_start3A_15 = tpu.memref_slice %arg11[%dma_start3A_4] : memref<2x!tpu.dma_semaphore, #tpu.memory_space<semaphore_mem>> -> memref<1x!tpu.dma_semaphore, #tpu.memory_space<semaphore_mem>>
    %dma_start3A_16 = tpu.memref_squeeze %dma_start3A_15 : memref<1x!tpu.dma_semaphore, #tpu.memory_space<semaphore_mem>> -> memref<!tpu.dma_semaphore, #tpu.memory_space<semaphore_mem>>
    tpu.enqueue_indirect_dma source(%dma_start3A_14 : memref<10000x128xf32, #tpu.memory_space<hbm>>) target(%dma_start3A_8 : memref<128x128xf32, #tpu.memory_space<vmem>>) offsets(%dma_start3A_11 : memref<128xi32, #tpu.memory_space<vmem>>) semaphore(%dma_start3A_16 : memref<!tpu.dma_semaphore, #tpu.memory_space<semaphore_mem>>)
    %scan3A = arith.constant 0 : i32
    %scan3A_17 = arith.constant 0 : i32
    %scan3A_18 = arith.constant 40 : i32
    %scan3A_19 = arith.addi %scan3A_17, %scan3A_18 : i32
    %scan3A_20 = arith.constant 1 : i32
    scf.for %scan3A_73 = %scan3A_17 to %scan3A_19 step %scan3A_20  : i32 {
      %rem3A = arith.constant 2 : i32
      %rem3A_74 = arith.remsi %scan3A_73, %rem3A : i32
      %sub3A = arith.constant 1 : i32
      %sub3A_75 = arith.subi %sub3A, %rem3A_74 : i32
      %ge3A = arith.constant 1 : i32
      %ge3A_76 = arith.cmpi sge, %scan3A_73, %ge3A : i32
      %convert_element_type3A = arith.extui %ge3A_76 : i1 to i32
      %cond3A = arith.constant 0 : i32
      %cond3A_77 = arith.cmpi ne, %convert_element_type3A, %cond3A : i32
      scf.if %cond3A_77 {
        %sub3A_108 = arith.constant 1 : i32
        %sub3A_109 = arith.subi %scan3A_73, %sub3A_108 : i32
        %dma_wait3A_110 = arith.constant 0 : i32
        %dma_wait3A_111 = arith.constant 0 : i32
        %dma_wait3A_112 = tpu.memref_slice %arg10[%sub3A_75, %dma_wait3A_110, %dma_wait3A_111] : memref<2x128x128xf32, #tpu.memory_space<vmem>> -> memref<1x128x128xf32, #tpu.memory_space<vmem>>
        %dma_wait3A_113 = tpu.memref_squeeze %dma_wait3A_112 : memref<1x128x128xf32, #tpu.memory_space<vmem>> -> memref<128x128xf32, #tpu.memory_space<vmem>>
        %dma_wait3A_114 = arith.constant 0 : i32
        %dma_wait3A_115 = tpu.memref_slice %arg9[%sub3A_109, %dma_wait3A_114] : memref<40x128xi32, #tpu.memory_space<vmem>> -> memref<1x128xi32, #tpu.memory_space<vmem>>
        %dma_wait3A_116 = tpu.memref_squeeze %dma_wait3A_115 : memref<1x128xi32, #tpu.memory_space<vmem>> -> memref<128xi32, #tpu.memory_space<vmem>>
        %dma_wait3A_117 = arith.constant 0 : i32
        %dma_wait3A_118 = arith.constant 0 : i32
        %dma_wait3A_119 = tpu.memref_slice %arg7[%dma_wait3A_117, %dma_wait3A_118] : memref<10240x128xf32, #tpu.memory_space<vmem_shared>> -> memref<10240x128xf32, #tpu.memory_space<vmem_shared>>
        %dma_wait3A_120 = tpu.memref_slice %arg12[%sub3A_75] : memref<2x!tpu.dma_semaphore, #tpu.memory_space<semaphore_mem>> -> memref<1x!tpu.dma_semaphore, #tpu.memory_space<semaphore_mem>>
        %dma_wait3A_121 = tpu.memref_squeeze %dma_wait3A_120 : memref<1x!tpu.dma_semaphore, #tpu.memory_space<semaphore_mem>> -> memref<!tpu.dma_semaphore, #tpu.memory_space<semaphore_mem>>
        tpu.wait_indirect_dma semaphore(%dma_wait3A_121 : memref<!tpu.dma_semaphore, #tpu.memory_space<semaphore_mem>>) src(%dma_wait3A_113 : memref<128x128xf32, #tpu.memory_space<vmem>>) dst(%dma_wait3A_119 : memref<10240x128xf32, #tpu.memory_space<vmem_shared>>)
      } else {
      }
      %add3A_78 = arith.constant 1 : i32
      %add3A_79 = arith.addi %scan3A_73, %add3A_78 : i32
      %lt3A = arith.constant 40 : i32
      %lt3A_80 = arith.cmpi slt, %add3A_79, %lt3A : i32
      %convert_element_type3A_81 = arith.extui %lt3A_80 : i1 to i32
      %cond3A_82 = arith.constant 0 : i32
      %cond3A_83 = arith.cmpi ne, %convert_element_type3A_81, %cond3A_82 : i32
      scf.if %cond3A_83 {
        %add3A_108 = arith.constant 1 : i32
        %add3A_109 = arith.addi %scan3A_73, %add3A_108 : i32
        %dma_start3A_110 = arith.constant 0 : i32
        %dma_start3A_111 = arith.constant 0 : i32
        %dma_start3A_112 = tpu.memref_slice %arg10[%sub3A_75, %dma_start3A_110, %dma_start3A_111] : memref<2x128x128xf32, #tpu.memory_space<vmem>> -> memref<1x128x128xf32, #tpu.memory_space<vmem>>
        %dma_start3A_113 = tpu.memref_squeeze %dma_start3A_112 : memref<1x128x128xf32, #tpu.memory_space<vmem>> -> memref<128x128xf32, #tpu.memory_space<vmem>>
        %dma_start3A_114 = arith.constant 0 : i32
        %dma_start3A_115 = tpu.memref_slice %arg8[%add3A_109, %dma_start3A_114] : memref<40x128xi32, #tpu.memory_space<vmem>> -> memref<1x128xi32, #tpu.memory_space<vmem>>
        %dma_start3A_116 = tpu.memref_squeeze %dma_start3A_115 : memref<1x128xi32, #tpu.memory_space<vmem>> -> memref<128xi32, #tpu.memory_space<vmem>>
        %dma_start3A_117 = arith.constant 0 : i32
        %dma_start3A_118 = arith.constant 0 : i32
        %dma_start3A_119 = tpu.memref_slice %arg2[%dma_start3A_117, %dma_start3A_118] : memref<10000x128xf32, #tpu.memory_space<hbm>> -> memref<10000x128xf32, #tpu.memory_space<hbm>>
        %dma_start3A_120 = tpu.memref_slice %arg11[%sub3A_75] : memref<2x!tpu.dma_semaphore, #tpu.memory_space<semaphore_mem>> -> memref<1x!tpu.dma_semaphore, #tpu.memory_space<semaphore_mem>>
        %dma_start3A_121 = tpu.memref_squeeze %dma_start3A_120 : memref<1x!tpu.dma_semaphore, #tpu.memory_space<semaphore_mem>> -> memref<!tpu.dma_semaphore, #tpu.memory_space<semaphore_mem>>
        tpu.enqueue_indirect_dma source(%dma_start3A_119 : memref<10000x128xf32, #tpu.memory_space<hbm>>) target(%dma_start3A_113 : memref<128x128xf32, #tpu.memory_space<vmem>>) offsets(%dma_start3A_116 : memref<128xi32, #tpu.memory_space<vmem>>) semaphore(%dma_start3A_121 : memref<!tpu.dma_semaphore, #tpu.memory_space<semaphore_mem>>)
      } else {
      }
      %dma_wait3A_84 = arith.constant 0 : i32
      %dma_wait3A_85 = arith.constant 0 : i32
      %dma_wait3A_86 = tpu.memref_slice %arg10[%rem3A_74, %dma_wait3A_84, %dma_wait3A_85] : memref<2x128x128xf32, #tpu.memory_space<vmem>> -> memref<1x128x128xf32, #tpu.memory_space<vmem>>
      %dma_wait3A_87 = tpu.memref_squeeze %dma_wait3A_86 : memref<1x128x128xf32, #tpu.memory_space<vmem>> -> memref<128x128xf32, #tpu.memory_space<vmem>>
      %dma_wait3A_88 = arith.constant 0 : i32
      %dma_wait3A_89 = tpu.memref_slice %arg8[%scan3A_73, %dma_wait3A_88] : memref<40x128xi32, #tpu.memory_space<vmem>> -> memref<1x128xi32, #tpu.memory_space<vmem>>
      %dma_wait3A_90 = tpu.memref_squeeze %dma_wait3A_89 : memref<1x128xi32, #tpu.memory_space<vmem>> -> memref<128xi32, #tpu.memory_space<vmem>>
      %dma_wait3A_91 = arith.constant 0 : i32
      %dma_wait3A_92 = arith.constant 0 : i32
      %dma_wait3A_93 = tpu.memref_slice %arg2[%dma_wait3A_91, %dma_wait3A_92] : memref<10000x128xf32, #tpu.memory_space<hbm>> -> memref<10000x128xf32, #tpu.memory_space<hbm>>
      %dma_wait3A_94 = tpu.memref_slice %arg11[%rem3A_74] : memref<2x!tpu.dma_semaphore, #tpu.memory_space<semaphore_mem>> -> memref<1x!tpu.dma_semaphore, #tpu.memory_space<semaphore_mem>>
      %dma_wait3A_95 = tpu.memref_squeeze %dma_wait3A_94 : memref<1x!tpu.dma_semaphore, #tpu.memory_space<semaphore_mem>> -> memref<!tpu.dma_semaphore, #tpu.memory_space<semaphore_mem>>
      tpu.wait_indirect_dma semaphore(%dma_wait3A_95 : memref<!tpu.dma_semaphore, #tpu.memory_space<semaphore_mem>>) src(%dma_wait3A_93 : memref<10000x128xf32, #tpu.memory_space<hbm>>) dst(%dma_wait3A_87 : memref<128x128xf32, #tpu.memory_space<vmem>>)
      %dma_start3A_96 = arith.constant 0 : i32
      %dma_start3A_97 = arith.constant 0 : i32
      %dma_start3A_98 = tpu.memref_slice %arg10[%rem3A_74, %dma_start3A_96, %dma_start3A_97] : memref<2x128x128xf32, #tpu.memory_space<vmem>> -> memref<1x128x128xf32, #tpu.memory_space<vmem>>
      %dma_start3A_99 = tpu.memref_squeeze %dma_start3A_98 : memref<1x128x128xf32, #tpu.memory_space<vmem>> -> memref<128x128xf32, #tpu.memory_space<vmem>>
      %dma_start3A_100 = arith.constant 0 : i32
      %dma_start3A_101 = tpu.memref_slice %arg9[%scan3A_73, %dma_start3A_100] : memref<40x128xi32, #tpu.memory_space<vmem>> -> memref<1x128xi32, #tpu.memory_space<vmem>>
      %dma_start3A_102 = tpu.memref_squeeze %dma_start3A_101 : memref<1x128xi32, #tpu.memory_space<vmem>> -> memref<128xi32, #tpu.memory_space<vmem>>
      %dma_start3A_103 = arith.constant 0 : i32
      %dma_start3A_104 = arith.constant 0 : i32
      %dma_start3A_105 = tpu.memref_slice %arg7[%dma_start3A_103, %dma_start3A_104] : memref<10240x128xf32, #tpu.memory_space<vmem_shared>> -> memref<10240x128xf32, #tpu.memory_space<vmem_shared>>
      %dma_start3A_106 = tpu.memref_slice %arg12[%rem3A_74] : memref<2x!tpu.dma_semaphore, #tpu.memory_space<semaphore_mem>> -> memref<1x!tpu.dma_semaphore, #tpu.memory_space<semaphore_mem>>
      %dma_start3A_107 = tpu.memref_squeeze %dma_start3A_106 : memref<1x!tpu.dma_semaphore, #tpu.memory_space<semaphore_mem>> -> memref<!tpu.dma_semaphore, #tpu.memory_space<semaphore_mem>>
      tpu.enqueue_indirect_dma source(%dma_start3A_99 : memref<128x128xf32, #tpu.memory_space<vmem>>) target(%dma_start3A_105 : memref<10240x128xf32, #tpu.memory_space<vmem_shared>>) offsets(%dma_start3A_102 : memref<128xi32, #tpu.memory_space<vmem>>) semaphore(%dma_start3A_107 : memref<!tpu.dma_semaphore, #tpu.memory_space<semaphore_mem>>) {add = true}
    }
    %scan3A_21 = arith.constant 40 : i32
    %dma_wait3A = arith.constant 1 : i32
    %dma_wait3A_22 = arith.constant 39 : i32
    %dma_wait3A_23 = arith.constant 1 : i32
    %dma_wait3A_24 = arith.constant 0 : i32
    %dma_wait3A_25 = arith.constant 0 : i32
    %dma_wait3A_26 = tpu.memref_slice %arg10[%dma_wait3A, %dma_wait3A_24, %dma_wait3A_25] : memref<2x128x128xf32, #tpu.memory_space<vmem>> -> memref<1x128x128xf32, #tpu.memory_space<vmem>>
    %dma_wait3A_27 = tpu.memref_squeeze %dma_wait3A_26 : memref<1x128x128xf32, #tpu.memory_space<vmem>> -> memref<128x128xf32, #tpu.memory_space<vmem>>
    %dma_wait3A_28 = arith.constant 0 : i32
    %dma_wait3A_29 = tpu.memref_slice %arg9[%dma_wait3A_22, %dma_wait3A_28] : memref<40x128xi32, #tpu.memory_space<vmem>> -> memref<1x128xi32, #tpu.memory_space<vmem>>
    %dma_wait3A_30 = tpu.memref_squeeze %dma_wait3A_29 : memref<1x128xi32, #tpu.memory_space<vmem>> -> memref<128xi32, #tpu.memory_space<vmem>>
    %dma_wait3A_31 = arith.constant 0 : i32
    %dma_wait3A_32 = arith.constant 0 : i32
    %dma_wait3A_33 = tpu.memref_slice %arg7[%dma_wait3A_31, %dma_wait3A_32] : memref<10240x128xf32, #tpu.memory_space<vmem_shared>> -> memref<10240x128xf32, #tpu.memory_space<vmem_shared>>
    %dma_wait3A_34 = tpu.memref_slice %arg12[%dma_wait3A_23] : memref<2x!tpu.dma_semaphore, #tpu.memory_space<semaphore_mem>> -> memref<1x!tpu.dma_semaphore, #tpu.memory_space<semaphore_mem>>
    %dma_wait3A_35 = tpu.memref_squeeze %dma_wait3A_34 : memref<1x!tpu.dma_semaphore, #tpu.memory_space<semaphore_mem>> -> memref<!tpu.dma_semaphore, #tpu.memory_space<semaphore_mem>>
    tpu.wait_indirect_dma semaphore(%dma_wait3A_35 : memref<!tpu.dma_semaphore, #tpu.memory_space<semaphore_mem>>) src(%dma_wait3A_27 : memref<128x128xf32, #tpu.memory_space<vmem>>) dst(%dma_wait3A_33 : memref<10240x128xf32, #tpu.memory_space<vmem_shared>>)
    "tpu.region"() ({
      %run_scoped3A = tpu.sem_alloc : memref<!tpu.dma_semaphore, #tpu.memory_space<semaphore_mem>>
      %dma_start3A_73 = arith.constant 40 : i32
      %dma_start3A_74 = arith.constant 0 : i32
      %dma_start3A_75 = tpu.memref_slice %arg3[%add3A, %dma_start3A_73, %dma_start3A_74] : memref<32x80x128xi32, #tpu.memory_space<hbm>> -> memref<1x40x128xi32, #tpu.memory_space<hbm>>
      %dma_start3A_76 = tpu.memref_squeeze %dma_start3A_75 : memref<1x40x128xi32, #tpu.memory_space<hbm>> -> memref<40x128xi32, #tpu.memory_space<hbm>>
      %dma_start3A_77 = arith.constant 40 : i32
      %dma_start3A_78 = arith.constant 0 : i32
      %dma_start3A_79 = tpu.memref_slice %arg3[%add3A, %dma_start3A_77, %dma_start3A_78] : memref<32x80x128xi32, #tpu.memory_space<hbm>> -> memref<1x40x128xi32, #tpu.memory_space<hbm>>
      %dma_start3A_80 = tpu.memref_squeeze %dma_start3A_79 : memref<1x40x128xi32, #tpu.memory_space<hbm>> -> memref<40x128xi32, #tpu.memory_space<hbm>>
      tpu.enqueue_dma source(%dma_start3A_80 : memref<40x128xi32, #tpu.memory_space<hbm>>) target(%arg8 : memref<40x128xi32, #tpu.memory_space<vmem>>) target_semaphore(%run_scoped3A : memref<!tpu.dma_semaphore, #tpu.memory_space<semaphore_mem>>)
      %dma_wait3A_81 = arith.constant 40 : i32
      %dma_wait3A_82 = arith.constant 0 : i32
      %dma_wait3A_83 = tpu.memref_slice %arg3[%add3A, %dma_wait3A_81, %dma_wait3A_82] : memref<32x80x128xi32, #tpu.memory_space<hbm>> -> memref<1x40x128xi32, #tpu.memory_space<hbm>>
      %dma_wait3A_84 = tpu.memref_squeeze %dma_wait3A_83 : memref<1x40x128xi32, #tpu.memory_space<hbm>> -> memref<40x128xi32, #tpu.memory_space<hbm>>
      %dma_wait3A_85 = arith.constant 40 : i32
      %dma_wait3A_86 = arith.constant 0 : i32
      %dma_wait3A_87 = tpu.memref_slice %arg3[%add3A, %dma_wait3A_85, %dma_wait3A_86] : memref<32x80x128xi32, #tpu.memory_space<hbm>> -> memref<1x40x128xi32, #tpu.memory_space<hbm>>
      %dma_wait3A_88 = tpu.memref_squeeze %dma_wait3A_87 : memref<1x40x128xi32, #tpu.memory_space<hbm>> -> memref<40x128xi32, #tpu.memory_space<hbm>>
      tpu.wait_dma2 semaphore(%run_scoped3A : memref<!tpu.dma_semaphore, #tpu.memory_space<semaphore_mem>>) src(%dma_wait3A_88 : memref<40x128xi32, #tpu.memory_space<hbm>>) dst(%arg8 : memref<40x128xi32, #tpu.memory_space<vmem>>)
      tpu.yield
    }) : () -> ()
    "tpu.region"() ({
      %run_scoped3A = tpu.sem_alloc : memref<!tpu.dma_semaphore, #tpu.memory_space<semaphore_mem>>
      %dma_start3A_73 = arith.constant 40 : i32
      %dma_start3A_74 = arith.constant 0 : i32
      %dma_start3A_75 = tpu.memref_slice %arg4[%add3A, %dma_start3A_73, %dma_start3A_74] : memref<32x80x128xi32, #tpu.memory_space<hbm>> -> memref<1x40x128xi32, #tpu.memory_space<hbm>>
      %dma_start3A_76 = tpu.memref_squeeze %dma_start3A_75 : memref<1x40x128xi32, #tpu.memory_space<hbm>> -> memref<40x128xi32, #tpu.memory_space<hbm>>
      %dma_start3A_77 = arith.constant 40 : i32
      %dma_start3A_78 = arith.constant 0 : i32
      %dma_start3A_79 = tpu.memref_slice %arg4[%add3A, %dma_start3A_77, %dma_start3A_78] : memref<32x80x128xi32, #tpu.memory_space<hbm>> -> memref<1x40x128xi32, #tpu.memory_space<hbm>>
      %dma_start3A_80 = tpu.memref_squeeze %dma_start3A_79 : memref<1x40x128xi32, #tpu.memory_space<hbm>> -> memref<40x128xi32, #tpu.memory_space<hbm>>
      tpu.enqueue_dma source(%dma_start3A_80 : memref<40x128xi32, #tpu.memory_space<hbm>>) target(%arg9 : memref<40x128xi32, #tpu.memory_space<vmem>>) target_semaphore(%run_scoped3A : memref<!tpu.dma_semaphore, #tpu.memory_space<semaphore_mem>>)
      %dma_wait3A_81 = arith.constant 40 : i32
      %dma_wait3A_82 = arith.constant 0 : i32
      %dma_wait3A_83 = tpu.memref_slice %arg4[%add3A, %dma_wait3A_81, %dma_wait3A_82] : memref<32x80x128xi32, #tpu.memory_space<hbm>> -> memref<1x40x128xi32, #tpu.memory_space<hbm>>
      %dma_wait3A_84 = tpu.memref_squeeze %dma_wait3A_83 : memref<1x40x128xi32, #tpu.memory_space<hbm>> -> memref<40x128xi32, #tpu.memory_space<hbm>>
      %dma_wait3A_85 = arith.constant 40 : i32
      %dma_wait3A_86 = arith.constant 0 : i32
      %dma_wait3A_87 = tpu.memref_slice %arg4[%add3A, %dma_wait3A_85, %dma_wait3A_86] : memref<32x80x128xi32, #tpu.memory_space<hbm>> -> memref<1x40x128xi32, #tpu.memory_space<hbm>>
      %dma_wait3A_88 = tpu.memref_squeeze %dma_wait3A_87 : memref<1x40x128xi32, #tpu.memory_space<hbm>> -> memref<40x128xi32, #tpu.memory_space<hbm>>
      tpu.wait_dma2 semaphore(%run_scoped3A : memref<!tpu.dma_semaphore, #tpu.memory_space<semaphore_mem>>) src(%dma_wait3A_88 : memref<40x128xi32, #tpu.memory_space<hbm>>) dst(%arg9 : memref<40x128xi32, #tpu.memory_space<vmem>>)
      tpu.yield
    }) : () -> ()
    %dma_start3A_36 = arith.constant 0 : i32
    %dma_start3A_37 = arith.constant 0 : i32
    %dma_start3A_38 = arith.constant 0 : i32
    %dma_start3A_39 = arith.constant 0 : i32
    %dma_start3A_40 = arith.constant 0 : i32
    %dma_start3A_41 = tpu.memref_slice %arg10[%dma_start3A_37, %dma_start3A_39, %dma_start3A_40] : memref<2x128x128xf32, #tpu.memory_space<vmem>> -> memref<1x128x128xf32, #tpu.memory_space<vmem>>
    %dma_start3A_42 = tpu.memref_squeeze %dma_start3A_41 : memref<1x128x128xf32, #tpu.memory_space<vmem>> -> memref<128x128xf32, #tpu.memory_space<vmem>>
    %dma_start3A_43 = arith.constant 0 : i32
    %dma_start3A_44 = tpu.memref_slice %arg8[%dma_start3A_36, %dma_start3A_43] : memref<40x128xi32, #tpu.memory_space<vmem>> -> memref<1x128xi32, #tpu.memory_space<vmem>>
    %dma_start3A_45 = tpu.memref_squeeze %dma_start3A_44 : memref<1x128xi32, #tpu.memory_space<vmem>> -> memref<128xi32, #tpu.memory_space<vmem>>
    %dma_start3A_46 = arith.constant 0 : i32
    %dma_start3A_47 = arith.constant 0 : i32
    %dma_start3A_48 = tpu.memref_slice %arg2[%dma_start3A_46, %dma_start3A_47] : memref<10000x128xf32, #tpu.memory_space<hbm>> -> memref<10000x128xf32, #tpu.memory_space<hbm>>
    %dma_start3A_49 = tpu.memref_slice %arg11[%dma_start3A_38] : memref<2x!tpu.dma_semaphore, #tpu.memory_space<semaphore_mem>> -> memref<1x!tpu.dma_semaphore, #tpu.memory_space<semaphore_mem>>
    %dma_start3A_50 = tpu.memref_squeeze %dma_start3A_49 : memref<1x!tpu.dma_semaphore, #tpu.memory_space<semaphore_mem>> -> memref<!tpu.dma_semaphore, #tpu.memory_space<semaphore_mem>>
    tpu.enqueue_indirect_dma source(%dma_start3A_48 : memref<10000x128xf32, #tpu.memory_space<hbm>>) target(%dma_start3A_42 : memref<128x128xf32, #tpu.memory_space<vmem>>) offsets(%dma_start3A_45 : memref<128xi32, #tpu.memory_space<vmem>>) semaphore(%dma_start3A_50 : memref<!tpu.dma_semaphore, #tpu.memory_space<semaphore_mem>>)
    %scan3A_51 = arith.constant 0 : i32
    %scan3A_52 = arith.constant 0 : i32
    %scan3A_53 = arith.constant 40 : i32
    %scan3A_54 = arith.addi %scan3A_52, %scan3A_53 : i32
    %scan3A_55 = arith.constant 1 : i32
    scf.for %scan3A_73 = %scan3A_52 to %scan3A_54 step %scan3A_55  : i32 {
      %rem3A = arith.constant 2 : i32
      %rem3A_74 = arith.remsi %scan3A_73, %rem3A : i32
      %sub3A = arith.constant 1 : i32
      %sub3A_75 = arith.subi %sub3A, %rem3A_74 : i32
      %ge3A = arith.constant 1 : i32
      %ge3A_76 = arith.cmpi sge, %scan3A_73, %ge3A : i32
      %convert_element_type3A = arith.extui %ge3A_76 : i1 to i32
      %cond3A = arith.constant 0 : i32
      %cond3A_77 = arith.cmpi ne, %convert_element_type3A, %cond3A : i32
      scf.if %cond3A_77 {
        %sub3A_108 = arith.constant 1 : i32
        %sub3A_109 = arith.subi %scan3A_73, %sub3A_108 : i32
        %dma_wait3A_110 = arith.constant 0 : i32
        %dma_wait3A_111 = arith.constant 0 : i32
        %dma_wait3A_112 = tpu.memref_slice %arg10[%sub3A_75, %dma_wait3A_110, %dma_wait3A_111] : memref<2x128x128xf32, #tpu.memory_space<vmem>> -> memref<1x128x128xf32, #tpu.memory_space<vmem>>
        %dma_wait3A_113 = tpu.memref_squeeze %dma_wait3A_112 : memref<1x128x128xf32, #tpu.memory_space<vmem>> -> memref<128x128xf32, #tpu.memory_space<vmem>>
        %dma_wait3A_114 = arith.constant 0 : i32
        %dma_wait3A_115 = tpu.memref_slice %arg9[%sub3A_109, %dma_wait3A_114] : memref<40x128xi32, #tpu.memory_space<vmem>> -> memref<1x128xi32, #tpu.memory_space<vmem>>
        %dma_wait3A_116 = tpu.memref_squeeze %dma_wait3A_115 : memref<1x128xi32, #tpu.memory_space<vmem>> -> memref<128xi32, #tpu.memory_space<vmem>>
        %dma_wait3A_117 = arith.constant 0 : i32
        %dma_wait3A_118 = arith.constant 0 : i32
        %dma_wait3A_119 = tpu.memref_slice %arg7[%dma_wait3A_117, %dma_wait3A_118] : memref<10240x128xf32, #tpu.memory_space<vmem_shared>> -> memref<10240x128xf32, #tpu.memory_space<vmem_shared>>
        %dma_wait3A_120 = tpu.memref_slice %arg12[%sub3A_75] : memref<2x!tpu.dma_semaphore, #tpu.memory_space<semaphore_mem>> -> memref<1x!tpu.dma_semaphore, #tpu.memory_space<semaphore_mem>>
        %dma_wait3A_121 = tpu.memref_squeeze %dma_wait3A_120 : memref<1x!tpu.dma_semaphore, #tpu.memory_space<semaphore_mem>> -> memref<!tpu.dma_semaphore, #tpu.memory_space<semaphore_mem>>
        tpu.wait_indirect_dma semaphore(%dma_wait3A_121 : memref<!tpu.dma_semaphore, #tpu.memory_space<semaphore_mem>>) src(%dma_wait3A_113 : memref<128x128xf32, #tpu.memory_space<vmem>>) dst(%dma_wait3A_119 : memref<10240x128xf32, #tpu.memory_space<vmem_shared>>)
      } else {
      }
      %add3A_78 = arith.constant 1 : i32
      %add3A_79 = arith.addi %scan3A_73, %add3A_78 : i32
      %lt3A = arith.constant 40 : i32
      %lt3A_80 = arith.cmpi slt, %add3A_79, %lt3A : i32
      %convert_element_type3A_81 = arith.extui %lt3A_80 : i1 to i32
      %cond3A_82 = arith.constant 0 : i32
      %cond3A_83 = arith.cmpi ne, %convert_element_type3A_81, %cond3A_82 : i32
      scf.if %cond3A_83 {
        %add3A_108 = arith.constant 1 : i32
        %add3A_109 = arith.addi %scan3A_73, %add3A_108 : i32
        %dma_start3A_110 = arith.constant 0 : i32
        %dma_start3A_111 = arith.constant 0 : i32
        %dma_start3A_112 = tpu.memref_slice %arg10[%sub3A_75, %dma_start3A_110, %dma_start3A_111] : memref<2x128x128xf32, #tpu.memory_space<vmem>> -> memref<1x128x128xf32, #tpu.memory_space<vmem>>
        %dma_start3A_113 = tpu.memref_squeeze %dma_start3A_112 : memref<1x128x128xf32, #tpu.memory_space<vmem>> -> memref<128x128xf32, #tpu.memory_space<vmem>>
        %dma_start3A_114 = arith.constant 0 : i32
        %dma_start3A_115 = tpu.memref_slice %arg8[%add3A_109, %dma_start3A_114] : memref<40x128xi32, #tpu.memory_space<vmem>> -> memref<1x128xi32, #tpu.memory_space<vmem>>
        %dma_start3A_116 = tpu.memref_squeeze %dma_start3A_115 : memref<1x128xi32, #tpu.memory_space<vmem>> -> memref<128xi32, #tpu.memory_space<vmem>>
        %dma_start3A_117 = arith.constant 0 : i32
        %dma_start3A_118 = arith.constant 0 : i32
        %dma_start3A_119 = tpu.memref_slice %arg2[%dma_start3A_117, %dma_start3A_118] : memref<10000x128xf32, #tpu.memory_space<hbm>> -> memref<10000x128xf32, #tpu.memory_space<hbm>>
        %dma_start3A_120 = tpu.memref_slice %arg11[%sub3A_75] : memref<2x!tpu.dma_semaphore, #tpu.memory_space<semaphore_mem>> -> memref<1x!tpu.dma_semaphore, #tpu.memory_space<semaphore_mem>>
        %dma_start3A_121 = tpu.memref_squeeze %dma_start3A_120 : memref<1x!tpu.dma_semaphore, #tpu.memory_space<semaphore_mem>> -> memref<!tpu.dma_semaphore, #tpu.memory_space<semaphore_mem>>
        tpu.enqueue_indirect_dma source(%dma_start3A_119 : memref<10000x128xf32, #tpu.memory_space<hbm>>) target(%dma_start3A_113 : memref<128x128xf32, #tpu.memory_space<vmem>>) offsets(%dma_start3A_116 : memref<128xi32, #tpu.memory_space<vmem>>) semaphore(%dma_start3A_121 : memref<!tpu.dma_semaphore, #tpu.memory_space<semaphore_mem>>)
      } else {
      }
      %dma_wait3A_84 = arith.constant 0 : i32
      %dma_wait3A_85 = arith.constant 0 : i32
      %dma_wait3A_86 = tpu.memref_slice %arg10[%rem3A_74, %dma_wait3A_84, %dma_wait3A_85] : memref<2x128x128xf32, #tpu.memory_space<vmem>> -> memref<1x128x128xf32, #tpu.memory_space<vmem>>
      %dma_wait3A_87 = tpu.memref_squeeze %dma_wait3A_86 : memref<1x128x128xf32, #tpu.memory_space<vmem>> -> memref<128x128xf32, #tpu.memory_space<vmem>>
      %dma_wait3A_88 = arith.constant 0 : i32
      %dma_wait3A_89 = tpu.memref_slice %arg8[%scan3A_73, %dma_wait3A_88] : memref<40x128xi32, #tpu.memory_space<vmem>> -> memref<1x128xi32, #tpu.memory_space<vmem>>
      %dma_wait3A_90 = tpu.memref_squeeze %dma_wait3A_89 : memref<1x128xi32, #tpu.memory_space<vmem>> -> memref<128xi32, #tpu.memory_space<vmem>>
      %dma_wait3A_91 = arith.constant 0 : i32
      %dma_wait3A_92 = arith.constant 0 : i32
      %dma_wait3A_93 = tpu.memref_slice %arg2[%dma_wait3A_91, %dma_wait3A_92] : memref<10000x128xf32, #tpu.memory_space<hbm>> -> memref<10000x128xf32, #tpu.memory_space<hbm>>
      %dma_wait3A_94 = tpu.memref_slice %arg11[%rem3A_74] : memref<2x!tpu.dma_semaphore, #tpu.memory_space<semaphore_mem>> -> memref<1x!tpu.dma_semaphore, #tpu.memory_space<semaphore_mem>>
      %dma_wait3A_95 = tpu.memref_squeeze %dma_wait3A_94 : memref<1x!tpu.dma_semaphore, #tpu.memory_space<semaphore_mem>> -> memref<!tpu.dma_semaphore, #tpu.memory_space<semaphore_mem>>
      tpu.wait_indirect_dma semaphore(%dma_wait3A_95 : memref<!tpu.dma_semaphore, #tpu.memory_space<semaphore_mem>>) src(%dma_wait3A_93 : memref<10000x128xf32, #tpu.memory_space<hbm>>) dst(%dma_wait3A_87 : memref<128x128xf32, #tpu.memory_space<vmem>>)
      %dma_start3A_96 = arith.constant 0 : i32
      %dma_start3A_97 = arith.constant 0 : i32
      %dma_start3A_98 = tpu.memref_slice %arg10[%rem3A_74, %dma_start3A_96, %dma_start3A_97] : memref<2x128x128xf32, #tpu.memory_space<vmem>> -> memref<1x128x128xf32, #tpu.memory_space<vmem>>
      %dma_start3A_99 = tpu.memref_squeeze %dma_start3A_98 : memref<1x128x128xf32, #tpu.memory_space<vmem>> -> memref<128x128xf32, #tpu.memory_space<vmem>>
      %dma_start3A_100 = arith.constant 0 : i32
      %dma_start3A_101 = tpu.memref_slice %arg9[%scan3A_73, %dma_start3A_100] : memref<40x128xi32, #tpu.memory_space<vmem>> -> memref<1x128xi32, #tpu.memory_space<vmem>>
      %dma_start3A_102 = tpu.memref_squeeze %dma_start3A_101 : memref<1x128xi32, #tpu.memory_space<vmem>> -> memref<128xi32, #tpu.memory_space<vmem>>
      %dma_start3A_103 = arith.constant 0 : i32
      %dma_start3A_104 = arith.constant 0 : i32
      %dma_start3A_105 = tpu.memref_slice %arg7[%dma_start3A_103, %dma_start3A_104] : memref<10240x128xf32, #tpu.memory_space<vmem_shared>> -> memref<10240x128xf32, #tpu.memory_space<vmem_shared>>
      %dma_start3A_106 = tpu.memref_slice %arg12[%rem3A_74] : memref<2x!tpu.dma_semaphore, #tpu.memory_space<semaphore_mem>> -> memref<1x!tpu.dma_semaphore, #tpu.memory_space<semaphore_mem>>
      %dma_start3A_107 = tpu.memref_squeeze %dma_start3A_106 : memref<1x!tpu.dma_semaphore, #tpu.memory_space<semaphore_mem>> -> memref<!tpu.dma_semaphore, #tpu.memory_space<semaphore_mem>>
      tpu.enqueue_indirect_dma source(%dma_start3A_99 : memref<128x128xf32, #tpu.memory_space<vmem>>) target(%dma_start3A_105 : memref<10240x128xf32, #tpu.memory_space<vmem_shared>>) offsets(%dma_start3A_102 : memref<128xi32, #tpu.memory_space<vmem>>) semaphore(%dma_start3A_107 : memref<!tpu.dma_semaphore, #tpu.memory_space<semaphore_mem>>) {add = true}
    }
    %scan3A_56 = arith.constant 40 : i32
    %dma_wait3A_57 = arith.constant 1 : i32
    %dma_wait3A_58 = arith.constant 39 : i32
    %dma_wait3A_59 = arith.constant 1 : i32
    %dma_wait3A_60 = arith.constant 0 : i32
    %dma_wait3A_61 = arith.constant 0 : i32
    %dma_wait3A_62 = tpu.memref_slice %arg10[%dma_wait3A_57, %dma_wait3A_60, %dma_wait3A_61] : memref<2x128x128xf32, #tpu.memory_space<vmem>> -> memref<1x128x128xf32, #tpu.memory_space<vmem>>
    %dma_wait3A_63 = tpu.memref_squeeze %dma_wait3A_62 : memref<1x128x128xf32, #tpu.memory_space<vmem>> -> memref<128x128xf32, #tpu.memory_space<vmem>>
    %dma_wait3A_64 = arith.constant 0 : i32
    %dma_wait3A_65 = tpu.memref_slice %arg9[%dma_wait3A_58, %dma_wait3A_64] : memref<40x128xi32, #tpu.memory_space<vmem>> -> memref<1x128xi32, #tpu.memory_space<vmem>>
    %dma_wait3A_66 = tpu.memref_squeeze %dma_wait3A_65 : memref<1x128xi32, #tpu.memory_space<vmem>> -> memref<128xi32, #tpu.memory_space<vmem>>
    %dma_wait3A_67 = arith.constant 0 : i32
    %dma_wait3A_68 = arith.constant 0 : i32
    %dma_wait3A_69 = tpu.memref_slice %arg7[%dma_wait3A_67, %dma_wait3A_68] : memref<10240x128xf32, #tpu.memory_space<vmem_shared>> -> memref<10240x128xf32, #tpu.memory_space<vmem_shared>>
    %dma_wait3A_70 = tpu.memref_slice %arg12[%dma_wait3A_59] : memref<2x!tpu.dma_semaphore, #tpu.memory_space<semaphore_mem>> -> memref<1x!tpu.dma_semaphore, #tpu.memory_space<semaphore_mem>>
    %dma_wait3A_71 = tpu.memref_squeeze %dma_wait3A_70 : memref<1x!tpu.dma_semaphore, #tpu.memory_space<semaphore_mem>> -> memref<!tpu.dma_semaphore, #tpu.memory_space<semaphore_mem>>
    tpu.wait_indirect_dma semaphore(%dma_wait3A_71 : memref<!tpu.dma_semaphore, #tpu.memory_space<semaphore_mem>>) src(%dma_wait3A_63 : memref<128x128xf32, #tpu.memory_space<vmem>>) dst(%dma_wait3A_69 : memref<10240x128xf32, #tpu.memory_space<vmem_shared>>)
    %barrier3A_72 = arith.constant 0 : index
    tpu.barrier barrier_id(%barrier3A_72)
    "tpu.region"() ({
      %run_scoped3A = tpu.sem_alloc : memref<!tpu.dma_semaphore, #tpu.memory_space<semaphore_mem>>
      %dma_start3A_73 = arith.constant 0 : i32
      %dma_start3A_74 = tpu.memref_slice %arg6[%arg0, %mul3A_2, %dma_start3A_73] : memref<2x10240x128xf32, #tpu.memory_space<hbm>> -> memref<1x640x128xf32, #tpu.memory_space<hbm>>
      %dma_start3A_75 = tpu.memref_squeeze %dma_start3A_74 : memref<1x640x128xf32, #tpu.memory_space<hbm>> -> memref<640x128xf32, #tpu.memory_space<hbm>>
      %dma_start3A_76 = arith.constant 0 : i32
      %dma_start3A_77 = tpu.memref_slice %arg7[%mul3A_2, %dma_start3A_76] : memref<10240x128xf32, #tpu.memory_space<vmem_shared>> -> memref<640x128xf32, #tpu.memory_space<vmem_shared>>
      tpu.enqueue_dma source(%dma_start3A_77 : memref<640x128xf32, #tpu.memory_space<vmem_shared>>) target(%dma_start3A_75 : memref<640x128xf32, #tpu.memory_space<hbm>>) target_semaphore(%run_scoped3A : memref<!tpu.dma_semaphore, #tpu.memory_space<semaphore_mem>>)
      %dma_wait3A_78 = arith.constant 0 : i32
      %dma_wait3A_79 = tpu.memref_slice %arg6[%arg0, %mul3A_2, %dma_wait3A_78] : memref<2x10240x128xf32, #tpu.memory_space<hbm>> -> memref<1x640x128xf32, #tpu.memory_space<hbm>>
      %dma_wait3A_80 = tpu.memref_squeeze %dma_wait3A_79 : memref<1x640x128xf32, #tpu.memory_space<hbm>> -> memref<640x128xf32, #tpu.memory_space<hbm>>
      %dma_wait3A_81 = arith.constant 0 : i32
      %dma_wait3A_82 = tpu.memref_slice %arg7[%mul3A_2, %dma_wait3A_81] : memref<10240x128xf32, #tpu.memory_space<vmem_shared>> -> memref<640x128xf32, #tpu.memory_space<vmem_shared>>
      tpu.wait_dma2 semaphore(%run_scoped3A : memref<!tpu.dma_semaphore, #tpu.memory_space<semaphore_mem>>) src(%dma_wait3A_82 : memref<640x128xf32, #tpu.memory_space<vmem_shared>>) dst(%dma_wait3A_80 : memref<640x128xf32, #tpu.memory_space<hbm>>)
      tpu.yield
    }) : () -> ()
    return
  }
}

#map = affine_map<(d0, d1) -> (0, 0)>
#map1 = affine_map<(d0, d1) -> (0, 0, 0)>
module attributes {stable_mosaic.version = 14 : i64} {
  func.func @_sc_prop_body(%arg0: i32, %arg1: i32, %arg2: memref<10000x128xf32, #tpu.memory_space<hbm>>, %arg3: memref<32x80x128xi32, #tpu.memory_space<hbm>>, %arg4: memref<32x80x128xi32, #tpu.memory_space<hbm>>, %arg5: memref<10240x128xf32, #tpu.memory_space<hbm>>, %arg6: memref<2x10240x128xf32, #tpu.memory_space<hbm>>, %arg7: memref<10240x128xf32, #tpu.memory_space<vmem_shared>>, %arg8: memref<40x128xi32, #tpu.memory_space<vmem>>, %arg9: memref<40x128xi32, #tpu.memory_space<vmem>>, %arg10: memref<2x128x128xf32, #tpu.memory_space<vmem>>, %arg11: memref<2x!tpu.dma_semaphore, #tpu.memory_space<semaphore_mem>>, %arg12: memref<2x!tpu.dma_semaphore, #tpu.memory_space<semaphore_mem>>) attributes {dimension_semantics = [#tpu.dimension_semantics<core_parallel>, #tpu.dimension_semantics<subcore_parallel>], iteration_bounds = array<i64: 2, 16>, scalar_prefetch = 0 : i64, scratch_operands = 6 : i64, tpu.core_type = #tpu.core_type<sc_vector_subcore>, window_params = [{transform_indices = #map}, {transform_indices = #map1}, {transform_indices = #map1}, {transform_indices = #map}, {transform_indices = #map1}]} {
    %mul3A = arith.constant 2 : i32
    %mul3A_0 = arith.muli %arg1, %mul3A : i32
    %add3A = arith.addi %mul3A_0, %arg0 : i32
    %mul3A_1 = arith.constant 640 : i32
    %mul3A_2 = arith.muli %arg1, %mul3A_1 : i32
    "tpu.region"() ({
      %run_scoped3A = tpu.sem_alloc : memref<!tpu.dma_semaphore, #tpu.memory_space<semaphore_mem>>
      %dma_start3A_73 = arith.constant 0 : i32
      %dma_start3A_74 = tpu.memref_slice %arg7[%mul3A_2, %dma_start3A_73] : memref<10240x128xf32, #tpu.memory_space<vmem_shared>> -> memref<640x128xf32, #tpu.memory_space<vmem_shared>>
      %dma_start3A_75 = arith.constant 0 : i32
      %dma_start3A_76 = tpu.memref_slice %arg5[%mul3A_2, %dma_start3A_75] : memref<10240x128xf32, #tpu.memory_space<hbm>> -> memref<640x128xf32, #tpu.memory_space<hbm>>
      tpu.enqueue_dma source(%dma_start3A_76 : memref<640x128xf32, #tpu.memory_space<hbm>>) target(%dma_start3A_74 : memref<640x128xf32, #tpu.memory_space<vmem_shared>>) target_semaphore(%run_scoped3A : memref<!tpu.dma_semaphore, #tpu.memory_space<semaphore_mem>>)
      %dma_wait3A_77 = arith.constant 0 : i32
      %dma_wait3A_78 = tpu.memref_slice %arg7[%mul3A_2, %dma_wait3A_77] : memref<10240x128xf32, #tpu.memory_space<vmem_shared>> -> memref<640x128xf32, #tpu.memory_space<vmem_shared>>
      %dma_wait3A_79 = arith.constant 0 : i32
      %dma_wait3A_80 = tpu.memref_slice %arg5[%mul3A_2, %dma_wait3A_79] : memref<10240x128xf32, #tpu.memory_space<hbm>> -> memref<640x128xf32, #tpu.memory_space<hbm>>
      tpu.wait_dma2 semaphore(%run_scoped3A : memref<!tpu.dma_semaphore, #tpu.memory_space<semaphore_mem>>) src(%dma_wait3A_80 : memref<640x128xf32, #tpu.memory_space<hbm>>) dst(%dma_wait3A_78 : memref<640x128xf32, #tpu.memory_space<vmem_shared>>)
      tpu.yield
    }) : () -> ()
    %barrier3A = arith.constant 0 : index
    tpu.barrier barrier_id(%barrier3A)
    "tpu.region"() ({
      %run_scoped3A = tpu.sem_alloc : memref<!tpu.dma_semaphore, #tpu.memory_space<semaphore_mem>>
      %dma_start3A_73 = arith.constant 0 : i32
      %dma_start3A_74 = arith.constant 0 : i32
      %dma_start3A_75 = tpu.memref_slice %arg3[%add3A, %dma_start3A_73, %dma_start3A_74] : memref<32x80x128xi32, #tpu.memory_space<hbm>> -> memref<1x40x128xi32, #tpu.memory_space<hbm>>
      %dma_start3A_76 = tpu.memref_squeeze %dma_start3A_75 : memref<1x40x128xi32, #tpu.memory_space<hbm>> -> memref<40x128xi32, #tpu.memory_space<hbm>>
      %dma_start3A_77 = arith.constant 0 : i32
      %dma_start3A_78 = arith.constant 0 : i32
      %dma_start3A_79 = tpu.memref_slice %arg3[%add3A, %dma_start3A_77, %dma_start3A_78] : memref<32x80x128xi32, #tpu.memory_space<hbm>> -> memref<1x40x128xi32, #tpu.memory_space<hbm>>
      %dma_start3A_80 = tpu.memref_squeeze %dma_start3A_79 : memref<1x40x128xi32, #tpu.memory_space<hbm>> -> memref<40x128xi32, #tpu.memory_space<hbm>>
      tpu.enqueue_dma source(%dma_start3A_80 : memref<40x128xi32, #tpu.memory_space<hbm>>) target(%arg8 : memref<40x128xi32, #tpu.memory_space<vmem>>) target_semaphore(%run_scoped3A : memref<!tpu.dma_semaphore, #tpu.memory_space<semaphore_mem>>)
      %dma_wait3A_81 = arith.constant 0 : i32
      %dma_wait3A_82 = arith.constant 0 : i32
      %dma_wait3A_83 = tpu.memref_slice %arg3[%add3A, %dma_wait3A_81, %dma_wait3A_82] : memref<32x80x128xi32, #tpu.memory_space<hbm>> -> memref<1x40x128xi32, #tpu.memory_space<hbm>>
      %dma_wait3A_84 = tpu.memref_squeeze %dma_wait3A_83 : memref<1x40x128xi32, #tpu.memory_space<hbm>> -> memref<40x128xi32, #tpu.memory_space<hbm>>
      %dma_wait3A_85 = arith.constant 0 : i32
      %dma_wait3A_86 = arith.constant 0 : i32
      %dma_wait3A_87 = tpu.memref_slice %arg3[%add3A, %dma_wait3A_85, %dma_wait3A_86] : memref<32x80x128xi32, #tpu.memory_space<hbm>> -> memref<1x40x128xi32, #tpu.memory_space<hbm>>
      %dma_wait3A_88 = tpu.memref_squeeze %dma_wait3A_87 : memref<1x40x128xi32, #tpu.memory_space<hbm>> -> memref<40x128xi32, #tpu.memory_space<hbm>>
      tpu.wait_dma2 semaphore(%run_scoped3A : memref<!tpu.dma_semaphore, #tpu.memory_space<semaphore_mem>>) src(%dma_wait3A_88 : memref<40x128xi32, #tpu.memory_space<hbm>>) dst(%arg8 : memref<40x128xi32, #tpu.memory_space<vmem>>)
      tpu.yield
    }) : () -> ()
    "tpu.region"() ({
      %run_scoped3A = tpu.sem_alloc : memref<!tpu.dma_semaphore, #tpu.memory_space<semaphore_mem>>
      %dma_start3A_73 = arith.constant 0 : i32
      %dma_start3A_74 = arith.constant 0 : i32
      %dma_start3A_75 = tpu.memref_slice %arg4[%add3A, %dma_start3A_73, %dma_start3A_74] : memref<32x80x128xi32, #tpu.memory_space<hbm>> -> memref<1x40x128xi32, #tpu.memory_space<hbm>>
      %dma_start3A_76 = tpu.memref_squeeze %dma_start3A_75 : memref<1x40x128xi32, #tpu.memory_space<hbm>> -> memref<40x128xi32, #tpu.memory_space<hbm>>
      %dma_start3A_77 = arith.constant 0 : i32
      %dma_start3A_78 = arith.constant 0 : i32
      %dma_start3A_79 = tpu.memref_slice %arg4[%add3A, %dma_start3A_77, %dma_start3A_78] : memref<32x80x128xi32, #tpu.memory_space<hbm>> -> memref<1x40x128xi32, #tpu.memory_space<hbm>>
      %dma_start3A_80 = tpu.memref_squeeze %dma_start3A_79 : memref<1x40x128xi32, #tpu.memory_space<hbm>> -> memref<40x128xi32, #tpu.memory_space<hbm>>
      tpu.enqueue_dma source(%dma_start3A_80 : memref<40x128xi32, #tpu.memory_space<hbm>>) target(%arg9 : memref<40x128xi32, #tpu.memory_space<vmem>>) target_semaphore(%run_scoped3A : memref<!tpu.dma_semaphore, #tpu.memory_space<semaphore_mem>>)
      %dma_wait3A_81 = arith.constant 0 : i32
      %dma_wait3A_82 = arith.constant 0 : i32
      %dma_wait3A_83 = tpu.memref_slice %arg4[%add3A, %dma_wait3A_81, %dma_wait3A_82] : memref<32x80x128xi32, #tpu.memory_space<hbm>> -> memref<1x40x128xi32, #tpu.memory_space<hbm>>
      %dma_wait3A_84 = tpu.memref_squeeze %dma_wait3A_83 : memref<1x40x128xi32, #tpu.memory_space<hbm>> -> memref<40x128xi32, #tpu.memory_space<hbm>>
      %dma_wait3A_85 = arith.constant 0 : i32
      %dma_wait3A_86 = arith.constant 0 : i32
      %dma_wait3A_87 = tpu.memref_slice %arg4[%add3A, %dma_wait3A_85, %dma_wait3A_86] : memref<32x80x128xi32, #tpu.memory_space<hbm>> -> memref<1x40x128xi32, #tpu.memory_space<hbm>>
      %dma_wait3A_88 = tpu.memref_squeeze %dma_wait3A_87 : memref<1x40x128xi32, #tpu.memory_space<hbm>> -> memref<40x128xi32, #tpu.memory_space<hbm>>
      tpu.wait_dma2 semaphore(%run_scoped3A : memref<!tpu.dma_semaphore, #tpu.memory_space<semaphore_mem>>) src(%dma_wait3A_88 : memref<40x128xi32, #tpu.memory_space<hbm>>) dst(%arg9 : memref<40x128xi32, #tpu.memory_space<vmem>>)
      tpu.yield
    }) : () -> ()
    %dma_start3A = arith.constant 0 : i32
    %dma_start3A_3 = arith.constant 0 : i32
    %dma_start3A_4 = arith.constant 0 : i32
    %dma_start3A_5 = arith.constant 0 : i32
    %dma_start3A_6 = arith.constant 0 : i32
    %dma_start3A_7 = tpu.memref_slice %arg10[%dma_start3A_3, %dma_start3A_5, %dma_start3A_6] : memref<2x128x128xf32, #tpu.memory_space<vmem>> -> memref<1x128x128xf32, #tpu.memory_space<vmem>>
    %dma_start3A_8 = tpu.memref_squeeze %dma_start3A_7 : memref<1x128x128xf32, #tpu.memory_space<vmem>> -> memref<128x128xf32, #tpu.memory_space<vmem>>
    %dma_start3A_9 = arith.constant 0 : i32
    %dma_start3A_10 = tpu.memref_slice %arg8[%dma_start3A, %dma_start3A_9] : memref<40x128xi32, #tpu.memory_space<vmem>> -> memref<1x128xi32, #tpu.memory_space<vmem>>
    %dma_start3A_11 = tpu.memref_squeeze %dma_start3A_10 : memref<1x128xi32, #tpu.memory_space<vmem>> -> memref<128xi32, #tpu.memory_space<vmem>>
    %dma_start3A_12 = arith.constant 0 : i32
    %dma_start3A_13 = arith.constant 0 : i32
    %dma_start3A_14 = tpu.memref_slice %arg2[%dma_start3A_12, %dma_start3A_13] : memref<10000x128xf32, #tpu.memory_space<hbm>> -> memref<10000x128xf32, #tpu.memory_space<hbm>>
    %dma_start3A_15 = tpu.memref_slice %arg11[%dma_start3A_4] : memref<2x!tpu.dma_semaphore, #tpu.memory_space<semaphore_mem>> -> memref<1x!tpu.dma_semaphore, #tpu.memory_space<semaphore_mem>>
    %dma_start3A_16 = tpu.memref_squeeze %dma_start3A_15 : memref<1x!tpu.dma_semaphore, #tpu.memory_space<semaphore_mem>> -> memref<!tpu.dma_semaphore, #tpu.memory_space<semaphore_mem>>
    tpu.enqueue_indirect_dma source(%dma_start3A_14 : memref<10000x128xf32, #tpu.memory_space<hbm>>) target(%dma_start3A_8 : memref<128x128xf32, #tpu.memory_space<vmem>>) offsets(%dma_start3A_11 : memref<128xi32, #tpu.memory_space<vmem>>) semaphore(%dma_start3A_16 : memref<!tpu.dma_semaphore, #tpu.memory_space<semaphore_mem>>)
    %scan3A = arith.constant 0 : i32
    %scan3A_17 = arith.constant 0 : i32
    %scan3A_18 = arith.constant 40 : i32
    %scan3A_19 = arith.addi %scan3A_17, %scan3A_18 : i32
    %scan3A_20 = arith.constant 1 : i32
    scf.for %scan3A_73 = %scan3A_17 to %scan3A_19 step %scan3A_20  : i32 {
      %rem3A = arith.constant 2 : i32
      %rem3A_74 = arith.remsi %scan3A_73, %rem3A : i32
      %sub3A = arith.constant 1 : i32
      %sub3A_75 = arith.subi %sub3A, %rem3A_74 : i32
      %ge3A = arith.constant 1 : i32
      %ge3A_76 = arith.cmpi sge, %scan3A_73, %ge3A : i32
      %convert_element_type3A = arith.extui %ge3A_76 : i1 to i32
      %cond3A = arith.constant 0 : i32
      %cond3A_77 = arith.cmpi ne, %convert_element_type3A, %cond3A : i32
      scf.if %cond3A_77 {
        %sub3A_108 = arith.constant 1 : i32
        %sub3A_109 = arith.subi %scan3A_73, %sub3A_108 : i32
        %dma_wait3A_110 = arith.constant 0 : i32
        %dma_wait3A_111 = arith.constant 0 : i32
        %dma_wait3A_112 = tpu.memref_slice %arg10[%sub3A_75, %dma_wait3A_110, %dma_wait3A_111] : memref<2x128x128xf32, #tpu.memory_space<vmem>> -> memref<1x128x128xf32, #tpu.memory_space<vmem>>
        %dma_wait3A_113 = tpu.memref_squeeze %dma_wait3A_112 : memref<1x128x128xf32, #tpu.memory_space<vmem>> -> memref<128x128xf32, #tpu.memory_space<vmem>>
        %dma_wait3A_114 = arith.constant 0 : i32
        %dma_wait3A_115 = tpu.memref_slice %arg9[%sub3A_109, %dma_wait3A_114] : memref<40x128xi32, #tpu.memory_space<vmem>> -> memref<1x128xi32, #tpu.memory_space<vmem>>
        %dma_wait3A_116 = tpu.memref_squeeze %dma_wait3A_115 : memref<1x128xi32, #tpu.memory_space<vmem>> -> memref<128xi32, #tpu.memory_space<vmem>>
        %dma_wait3A_117 = arith.constant 0 : i32
        %dma_wait3A_118 = arith.constant 0 : i32
        %dma_wait3A_119 = tpu.memref_slice %arg7[%dma_wait3A_117, %dma_wait3A_118] : memref<10240x128xf32, #tpu.memory_space<vmem_shared>> -> memref<10240x128xf32, #tpu.memory_space<vmem_shared>>
        %dma_wait3A_120 = tpu.memref_slice %arg12[%sub3A_75] : memref<2x!tpu.dma_semaphore, #tpu.memory_space<semaphore_mem>> -> memref<1x!tpu.dma_semaphore, #tpu.memory_space<semaphore_mem>>
        %dma_wait3A_121 = tpu.memref_squeeze %dma_wait3A_120 : memref<1x!tpu.dma_semaphore, #tpu.memory_space<semaphore_mem>> -> memref<!tpu.dma_semaphore, #tpu.memory_space<semaphore_mem>>
        tpu.wait_indirect_dma semaphore(%dma_wait3A_121 : memref<!tpu.dma_semaphore, #tpu.memory_space<semaphore_mem>>) src(%dma_wait3A_113 : memref<128x128xf32, #tpu.memory_space<vmem>>) dst(%dma_wait3A_119 : memref<10240x128xf32, #tpu.memory_space<vmem_shared>>)
      } else {
      }
      %add3A_78 = arith.constant 1 : i32
      %add3A_79 = arith.addi %scan3A_73, %add3A_78 : i32
      %lt3A = arith.constant 40 : i32
      %lt3A_80 = arith.cmpi slt, %add3A_79, %lt3A : i32
      %convert_element_type3A_81 = arith.extui %lt3A_80 : i1 to i32
      %cond3A_82 = arith.constant 0 : i32
      %cond3A_83 = arith.cmpi ne, %convert_element_type3A_81, %cond3A_82 : i32
      scf.if %cond3A_83 {
        %add3A_108 = arith.constant 1 : i32
        %add3A_109 = arith.addi %scan3A_73, %add3A_108 : i32
        %dma_start3A_110 = arith.constant 0 : i32
        %dma_start3A_111 = arith.constant 0 : i32
        %dma_start3A_112 = tpu.memref_slice %arg10[%sub3A_75, %dma_start3A_110, %dma_start3A_111] : memref<2x128x128xf32, #tpu.memory_space<vmem>> -> memref<1x128x128xf32, #tpu.memory_space<vmem>>
        %dma_start3A_113 = tpu.memref_squeeze %dma_start3A_112 : memref<1x128x128xf32, #tpu.memory_space<vmem>> -> memref<128x128xf32, #tpu.memory_space<vmem>>
        %dma_start3A_114 = arith.constant 0 : i32
        %dma_start3A_115 = tpu.memref_slice %arg8[%add3A_109, %dma_start3A_114] : memref<40x128xi32, #tpu.memory_space<vmem>> -> memref<1x128xi32, #tpu.memory_space<vmem>>
        %dma_start3A_116 = tpu.memref_squeeze %dma_start3A_115 : memref<1x128xi32, #tpu.memory_space<vmem>> -> memref<128xi32, #tpu.memory_space<vmem>>
        %dma_start3A_117 = arith.constant 0 : i32
        %dma_start3A_118 = arith.constant 0 : i32
        %dma_start3A_119 = tpu.memref_slice %arg2[%dma_start3A_117, %dma_start3A_118] : memref<10000x128xf32, #tpu.memory_space<hbm>> -> memref<10000x128xf32, #tpu.memory_space<hbm>>
        %dma_start3A_120 = tpu.memref_slice %arg11[%sub3A_75] : memref<2x!tpu.dma_semaphore, #tpu.memory_space<semaphore_mem>> -> memref<1x!tpu.dma_semaphore, #tpu.memory_space<semaphore_mem>>
        %dma_start3A_121 = tpu.memref_squeeze %dma_start3A_120 : memref<1x!tpu.dma_semaphore, #tpu.memory_space<semaphore_mem>> -> memref<!tpu.dma_semaphore, #tpu.memory_space<semaphore_mem>>
        tpu.enqueue_indirect_dma source(%dma_start3A_119 : memref<10000x128xf32, #tpu.memory_space<hbm>>) target(%dma_start3A_113 : memref<128x128xf32, #tpu.memory_space<vmem>>) offsets(%dma_start3A_116 : memref<128xi32, #tpu.memory_space<vmem>>) semaphore(%dma_start3A_121 : memref<!tpu.dma_semaphore, #tpu.memory_space<semaphore_mem>>)
      } else {
      }
      %dma_wait3A_84 = arith.constant 0 : i32
      %dma_wait3A_85 = arith.constant 0 : i32
      %dma_wait3A_86 = tpu.memref_slice %arg10[%rem3A_74, %dma_wait3A_84, %dma_wait3A_85] : memref<2x128x128xf32, #tpu.memory_space<vmem>> -> memref<1x128x128xf32, #tpu.memory_space<vmem>>
      %dma_wait3A_87 = tpu.memref_squeeze %dma_wait3A_86 : memref<1x128x128xf32, #tpu.memory_space<vmem>> -> memref<128x128xf32, #tpu.memory_space<vmem>>
      %dma_wait3A_88 = arith.constant 0 : i32
      %dma_wait3A_89 = tpu.memref_slice %arg8[%scan3A_73, %dma_wait3A_88] : memref<40x128xi32, #tpu.memory_space<vmem>> -> memref<1x128xi32, #tpu.memory_space<vmem>>
      %dma_wait3A_90 = tpu.memref_squeeze %dma_wait3A_89 : memref<1x128xi32, #tpu.memory_space<vmem>> -> memref<128xi32, #tpu.memory_space<vmem>>
      %dma_wait3A_91 = arith.constant 0 : i32
      %dma_wait3A_92 = arith.constant 0 : i32
      %dma_wait3A_93 = tpu.memref_slice %arg2[%dma_wait3A_91, %dma_wait3A_92] : memref<10000x128xf32, #tpu.memory_space<hbm>> -> memref<10000x128xf32, #tpu.memory_space<hbm>>
      %dma_wait3A_94 = tpu.memref_slice %arg11[%rem3A_74] : memref<2x!tpu.dma_semaphore, #tpu.memory_space<semaphore_mem>> -> memref<1x!tpu.dma_semaphore, #tpu.memory_space<semaphore_mem>>
      %dma_wait3A_95 = tpu.memref_squeeze %dma_wait3A_94 : memref<1x!tpu.dma_semaphore, #tpu.memory_space<semaphore_mem>> -> memref<!tpu.dma_semaphore, #tpu.memory_space<semaphore_mem>>
      tpu.wait_indirect_dma semaphore(%dma_wait3A_95 : memref<!tpu.dma_semaphore, #tpu.memory_space<semaphore_mem>>) src(%dma_wait3A_93 : memref<10000x128xf32, #tpu.memory_space<hbm>>) dst(%dma_wait3A_87 : memref<128x128xf32, #tpu.memory_space<vmem>>)
      %dma_start3A_96 = arith.constant 0 : i32
      %dma_start3A_97 = arith.constant 0 : i32
      %dma_start3A_98 = tpu.memref_slice %arg10[%rem3A_74, %dma_start3A_96, %dma_start3A_97] : memref<2x128x128xf32, #tpu.memory_space<vmem>> -> memref<1x128x128xf32, #tpu.memory_space<vmem>>
      %dma_start3A_99 = tpu.memref_squeeze %dma_start3A_98 : memref<1x128x128xf32, #tpu.memory_space<vmem>> -> memref<128x128xf32, #tpu.memory_space<vmem>>
      %dma_start3A_100 = arith.constant 0 : i32
      %dma_start3A_101 = tpu.memref_slice %arg9[%scan3A_73, %dma_start3A_100] : memref<40x128xi32, #tpu.memory_space<vmem>> -> memref<1x128xi32, #tpu.memory_space<vmem>>
      %dma_start3A_102 = tpu.memref_squeeze %dma_start3A_101 : memref<1x128xi32, #tpu.memory_space<vmem>> -> memref<128xi32, #tpu.memory_space<vmem>>
      %dma_start3A_103 = arith.constant 0 : i32
      %dma_start3A_104 = arith.constant 0 : i32
      %dma_start3A_105 = tpu.memref_slice %arg7[%dma_start3A_103, %dma_start3A_104] : memref<10240x128xf32, #tpu.memory_space<vmem_shared>> -> memref<10240x128xf32, #tpu.memory_space<vmem_shared>>
      %dma_start3A_106 = tpu.memref_slice %arg12[%rem3A_74] : memref<2x!tpu.dma_semaphore, #tpu.memory_space<semaphore_mem>> -> memref<1x!tpu.dma_semaphore, #tpu.memory_space<semaphore_mem>>
      %dma_start3A_107 = tpu.memref_squeeze %dma_start3A_106 : memref<1x!tpu.dma_semaphore, #tpu.memory_space<semaphore_mem>> -> memref<!tpu.dma_semaphore, #tpu.memory_space<semaphore_mem>>
      tpu.enqueue_indirect_dma source(%dma_start3A_99 : memref<128x128xf32, #tpu.memory_space<vmem>>) target(%dma_start3A_105 : memref<10240x128xf32, #tpu.memory_space<vmem_shared>>) offsets(%dma_start3A_102 : memref<128xi32, #tpu.memory_space<vmem>>) semaphore(%dma_start3A_107 : memref<!tpu.dma_semaphore, #tpu.memory_space<semaphore_mem>>) {add = true}
    }
    %scan3A_21 = arith.constant 40 : i32
    %dma_wait3A = arith.constant 1 : i32
    %dma_wait3A_22 = arith.constant 39 : i32
    %dma_wait3A_23 = arith.constant 1 : i32
    %dma_wait3A_24 = arith.constant 0 : i32
    %dma_wait3A_25 = arith.constant 0 : i32
    %dma_wait3A_26 = tpu.memref_slice %arg10[%dma_wait3A, %dma_wait3A_24, %dma_wait3A_25] : memref<2x128x128xf32, #tpu.memory_space<vmem>> -> memref<1x128x128xf32, #tpu.memory_space<vmem>>
    %dma_wait3A_27 = tpu.memref_squeeze %dma_wait3A_26 : memref<1x128x128xf32, #tpu.memory_space<vmem>> -> memref<128x128xf32, #tpu.memory_space<vmem>>
    %dma_wait3A_28 = arith.constant 0 : i32
    %dma_wait3A_29 = tpu.memref_slice %arg9[%dma_wait3A_22, %dma_wait3A_28] : memref<40x128xi32, #tpu.memory_space<vmem>> -> memref<1x128xi32, #tpu.memory_space<vmem>>
    %dma_wait3A_30 = tpu.memref_squeeze %dma_wait3A_29 : memref<1x128xi32, #tpu.memory_space<vmem>> -> memref<128xi32, #tpu.memory_space<vmem>>
    %dma_wait3A_31 = arith.constant 0 : i32
    %dma_wait3A_32 = arith.constant 0 : i32
    %dma_wait3A_33 = tpu.memref_slice %arg7[%dma_wait3A_31, %dma_wait3A_32] : memref<10240x128xf32, #tpu.memory_space<vmem_shared>> -> memref<10240x128xf32, #tpu.memory_space<vmem_shared>>
    %dma_wait3A_34 = tpu.memref_slice %arg12[%dma_wait3A_23] : memref<2x!tpu.dma_semaphore, #tpu.memory_space<semaphore_mem>> -> memref<1x!tpu.dma_semaphore, #tpu.memory_space<semaphore_mem>>
    %dma_wait3A_35 = tpu.memref_squeeze %dma_wait3A_34 : memref<1x!tpu.dma_semaphore, #tpu.memory_space<semaphore_mem>> -> memref<!tpu.dma_semaphore, #tpu.memory_space<semaphore_mem>>
    tpu.wait_indirect_dma semaphore(%dma_wait3A_35 : memref<!tpu.dma_semaphore, #tpu.memory_space<semaphore_mem>>) src(%dma_wait3A_27 : memref<128x128xf32, #tpu.memory_space<vmem>>) dst(%dma_wait3A_33 : memref<10240x128xf32, #tpu.memory_space<vmem_shared>>)
    "tpu.region"() ({
      %run_scoped3A = tpu.sem_alloc : memref<!tpu.dma_semaphore, #tpu.memory_space<semaphore_mem>>
      %dma_start3A_73 = arith.constant 40 : i32
      %dma_start3A_74 = arith.constant 0 : i32
      %dma_start3A_75 = tpu.memref_slice %arg3[%add3A, %dma_start3A_73, %dma_start3A_74] : memref<32x80x128xi32, #tpu.memory_space<hbm>> -> memref<1x40x128xi32, #tpu.memory_space<hbm>>
      %dma_start3A_76 = tpu.memref_squeeze %dma_start3A_75 : memref<1x40x128xi32, #tpu.memory_space<hbm>> -> memref<40x128xi32, #tpu.memory_space<hbm>>
      %dma_start3A_77 = arith.constant 40 : i32
      %dma_start3A_78 = arith.constant 0 : i32
      %dma_start3A_79 = tpu.memref_slice %arg3[%add3A, %dma_start3A_77, %dma_start3A_78] : memref<32x80x128xi32, #tpu.memory_space<hbm>> -> memref<1x40x128xi32, #tpu.memory_space<hbm>>
      %dma_start3A_80 = tpu.memref_squeeze %dma_start3A_79 : memref<1x40x128xi32, #tpu.memory_space<hbm>> -> memref<40x128xi32, #tpu.memory_space<hbm>>
      tpu.enqueue_dma source(%dma_start3A_80 : memref<40x128xi32, #tpu.memory_space<hbm>>) target(%arg8 : memref<40x128xi32, #tpu.memory_space<vmem>>) target_semaphore(%run_scoped3A : memref<!tpu.dma_semaphore, #tpu.memory_space<semaphore_mem>>)
      %dma_wait3A_81 = arith.constant 40 : i32
      %dma_wait3A_82 = arith.constant 0 : i32
      %dma_wait3A_83 = tpu.memref_slice %arg3[%add3A, %dma_wait3A_81, %dma_wait3A_82] : memref<32x80x128xi32, #tpu.memory_space<hbm>> -> memref<1x40x128xi32, #tpu.memory_space<hbm>>
      %dma_wait3A_84 = tpu.memref_squeeze %dma_wait3A_83 : memref<1x40x128xi32, #tpu.memory_space<hbm>> -> memref<40x128xi32, #tpu.memory_space<hbm>>
      %dma_wait3A_85 = arith.constant 40 : i32
      %dma_wait3A_86 = arith.constant 0 : i32
      %dma_wait3A_87 = tpu.memref_slice %arg3[%add3A, %dma_wait3A_85, %dma_wait3A_86] : memref<32x80x128xi32, #tpu.memory_space<hbm>> -> memref<1x40x128xi32, #tpu.memory_space<hbm>>
      %dma_wait3A_88 = tpu.memref_squeeze %dma_wait3A_87 : memref<1x40x128xi32, #tpu.memory_space<hbm>> -> memref<40x128xi32, #tpu.memory_space<hbm>>
      tpu.wait_dma2 semaphore(%run_scoped3A : memref<!tpu.dma_semaphore, #tpu.memory_space<semaphore_mem>>) src(%dma_wait3A_88 : memref<40x128xi32, #tpu.memory_space<hbm>>) dst(%arg8 : memref<40x128xi32, #tpu.memory_space<vmem>>)
      tpu.yield
    }) : () -> ()
    "tpu.region"() ({
      %run_scoped3A = tpu.sem_alloc : memref<!tpu.dma_semaphore, #tpu.memory_space<semaphore_mem>>
      %dma_start3A_73 = arith.constant 40 : i32
      %dma_start3A_74 = arith.constant 0 : i32
      %dma_start3A_75 = tpu.memref_slice %arg4[%add3A, %dma_start3A_73, %dma_start3A_74] : memref<32x80x128xi32, #tpu.memory_space<hbm>> -> memref<1x40x128xi32, #tpu.memory_space<hbm>>
      %dma_start3A_76 = tpu.memref_squeeze %dma_start3A_75 : memref<1x40x128xi32, #tpu.memory_space<hbm>> -> memref<40x128xi32, #tpu.memory_space<hbm>>
      %dma_start3A_77 = arith.constant 40 : i32
      %dma_start3A_78 = arith.constant 0 : i32
      %dma_start3A_79 = tpu.memref_slice %arg4[%add3A, %dma_start3A_77, %dma_start3A_78] : memref<32x80x128xi32, #tpu.memory_space<hbm>> -> memref<1x40x128xi32, #tpu.memory_space<hbm>>
      %dma_start3A_80 = tpu.memref_squeeze %dma_start3A_79 : memref<1x40x128xi32, #tpu.memory_space<hbm>> -> memref<40x128xi32, #tpu.memory_space<hbm>>
      tpu.enqueue_dma source(%dma_start3A_80 : memref<40x128xi32, #tpu.memory_space<hbm>>) target(%arg9 : memref<40x128xi32, #tpu.memory_space<vmem>>) target_semaphore(%run_scoped3A : memref<!tpu.dma_semaphore, #tpu.memory_space<semaphore_mem>>)
      %dma_wait3A_81 = arith.constant 40 : i32
      %dma_wait3A_82 = arith.constant 0 : i32
      %dma_wait3A_83 = tpu.memref_slice %arg4[%add3A, %dma_wait3A_81, %dma_wait3A_82] : memref<32x80x128xi32, #tpu.memory_space<hbm>> -> memref<1x40x128xi32, #tpu.memory_space<hbm>>
      %dma_wait3A_84 = tpu.memref_squeeze %dma_wait3A_83 : memref<1x40x128xi32, #tpu.memory_space<hbm>> -> memref<40x128xi32, #tpu.memory_space<hbm>>
      %dma_wait3A_85 = arith.constant 40 : i32
      %dma_wait3A_86 = arith.constant 0 : i32
      %dma_wait3A_87 = tpu.memref_slice %arg4[%add3A, %dma_wait3A_85, %dma_wait3A_86] : memref<32x80x128xi32, #tpu.memory_space<hbm>> -> memref<1x40x128xi32, #tpu.memory_space<hbm>>
      %dma_wait3A_88 = tpu.memref_squeeze %dma_wait3A_87 : memref<1x40x128xi32, #tpu.memory_space<hbm>> -> memref<40x128xi32, #tpu.memory_space<hbm>>
      tpu.wait_dma2 semaphore(%run_scoped3A : memref<!tpu.dma_semaphore, #tpu.memory_space<semaphore_mem>>) src(%dma_wait3A_88 : memref<40x128xi32, #tpu.memory_space<hbm>>) dst(%arg9 : memref<40x128xi32, #tpu.memory_space<vmem>>)
      tpu.yield
    }) : () -> ()
    %dma_start3A_36 = arith.constant 0 : i32
    %dma_start3A_37 = arith.constant 0 : i32
    %dma_start3A_38 = arith.constant 0 : i32
    %dma_start3A_39 = arith.constant 0 : i32
    %dma_start3A_40 = arith.constant 0 : i32
    %dma_start3A_41 = tpu.memref_slice %arg10[%dma_start3A_37, %dma_start3A_39, %dma_start3A_40] : memref<2x128x128xf32, #tpu.memory_space<vmem>> -> memref<1x128x128xf32, #tpu.memory_space<vmem>>
    %dma_start3A_42 = tpu.memref_squeeze %dma_start3A_41 : memref<1x128x128xf32, #tpu.memory_space<vmem>> -> memref<128x128xf32, #tpu.memory_space<vmem>>
    %dma_start3A_43 = arith.constant 0 : i32
    %dma_start3A_44 = tpu.memref_slice %arg8[%dma_start3A_36, %dma_start3A_43] : memref<40x128xi32, #tpu.memory_space<vmem>> -> memref<1x128xi32, #tpu.memory_space<vmem>>
    %dma_start3A_45 = tpu.memref_squeeze %dma_start3A_44 : memref<1x128xi32, #tpu.memory_space<vmem>> -> memref<128xi32, #tpu.memory_space<vmem>>
    %dma_start3A_46 = arith.constant 0 : i32
    %dma_start3A_47 = arith.constant 0 : i32
    %dma_start3A_48 = tpu.memref_slice %arg2[%dma_start3A_46, %dma_start3A_47] : memref<10000x128xf32, #tpu.memory_space<hbm>> -> memref<10000x128xf32, #tpu.memory_space<hbm>>
    %dma_start3A_49 = tpu.memref_slice %arg11[%dma_start3A_38] : memref<2x!tpu.dma_semaphore, #tpu.memory_space<semaphore_mem>> -> memref<1x!tpu.dma_semaphore, #tpu.memory_space<semaphore_mem>>
    %dma_start3A_50 = tpu.memref_squeeze %dma_start3A_49 : memref<1x!tpu.dma_semaphore, #tpu.memory_space<semaphore_mem>> -> memref<!tpu.dma_semaphore, #tpu.memory_space<semaphore_mem>>
    tpu.enqueue_indirect_dma source(%dma_start3A_48 : memref<10000x128xf32, #tpu.memory_space<hbm>>) target(%dma_start3A_42 : memref<128x128xf32, #tpu.memory_space<vmem>>) offsets(%dma_start3A_45 : memref<128xi32, #tpu.memory_space<vmem>>) semaphore(%dma_start3A_50 : memref<!tpu.dma_semaphore, #tpu.memory_space<semaphore_mem>>)
    %scan3A_51 = arith.constant 0 : i32
    %scan3A_52 = arith.constant 0 : i32
    %scan3A_53 = arith.constant 40 : i32
    %scan3A_54 = arith.addi %scan3A_52, %scan3A_53 : i32
    %scan3A_55 = arith.constant 1 : i32
    scf.for %scan3A_73 = %scan3A_52 to %scan3A_54 step %scan3A_55  : i32 {
      %rem3A = arith.constant 2 : i32
      %rem3A_74 = arith.remsi %scan3A_73, %rem3A : i32
      %sub3A = arith.constant 1 : i32
      %sub3A_75 = arith.subi %sub3A, %rem3A_74 : i32
      %ge3A = arith.constant 1 : i32
      %ge3A_76 = arith.cmpi sge, %scan3A_73, %ge3A : i32
      %convert_element_type3A = arith.extui %ge3A_76 : i1 to i32
      %cond3A = arith.constant 0 : i32
      %cond3A_77 = arith.cmpi ne, %convert_element_type3A, %cond3A : i32
      scf.if %cond3A_77 {
        %sub3A_108 = arith.constant 1 : i32
        %sub3A_109 = arith.subi %scan3A_73, %sub3A_108 : i32
        %dma_wait3A_110 = arith.constant 0 : i32
        %dma_wait3A_111 = arith.constant 0 : i32
        %dma_wait3A_112 = tpu.memref_slice %arg10[%sub3A_75, %dma_wait3A_110, %dma_wait3A_111] : memref<2x128x128xf32, #tpu.memory_space<vmem>> -> memref<1x128x128xf32, #tpu.memory_space<vmem>>
        %dma_wait3A_113 = tpu.memref_squeeze %dma_wait3A_112 : memref<1x128x128xf32, #tpu.memory_space<vmem>> -> memref<128x128xf32, #tpu.memory_space<vmem>>
        %dma_wait3A_114 = arith.constant 0 : i32
        %dma_wait3A_115 = tpu.memref_slice %arg9[%sub3A_109, %dma_wait3A_114] : memref<40x128xi32, #tpu.memory_space<vmem>> -> memref<1x128xi32, #tpu.memory_space<vmem>>
        %dma_wait3A_116 = tpu.memref_squeeze %dma_wait3A_115 : memref<1x128xi32, #tpu.memory_space<vmem>> -> memref<128xi32, #tpu.memory_space<vmem>>
        %dma_wait3A_117 = arith.constant 0 : i32
        %dma_wait3A_118 = arith.constant 0 : i32
        %dma_wait3A_119 = tpu.memref_slice %arg7[%dma_wait3A_117, %dma_wait3A_118] : memref<10240x128xf32, #tpu.memory_space<vmem_shared>> -> memref<10240x128xf32, #tpu.memory_space<vmem_shared>>
        %dma_wait3A_120 = tpu.memref_slice %arg12[%sub3A_75] : memref<2x!tpu.dma_semaphore, #tpu.memory_space<semaphore_mem>> -> memref<1x!tpu.dma_semaphore, #tpu.memory_space<semaphore_mem>>
        %dma_wait3A_121 = tpu.memref_squeeze %dma_wait3A_120 : memref<1x!tpu.dma_semaphore, #tpu.memory_space<semaphore_mem>> -> memref<!tpu.dma_semaphore, #tpu.memory_space<semaphore_mem>>
        tpu.wait_indirect_dma semaphore(%dma_wait3A_121 : memref<!tpu.dma_semaphore, #tpu.memory_space<semaphore_mem>>) src(%dma_wait3A_113 : memref<128x128xf32, #tpu.memory_space<vmem>>) dst(%dma_wait3A_119 : memref<10240x128xf32, #tpu.memory_space<vmem_shared>>)
      } else {
      }
      %add3A_78 = arith.constant 1 : i32
      %add3A_79 = arith.addi %scan3A_73, %add3A_78 : i32
      %lt3A = arith.constant 40 : i32
      %lt3A_80 = arith.cmpi slt, %add3A_79, %lt3A : i32
      %convert_element_type3A_81 = arith.extui %lt3A_80 : i1 to i32
      %cond3A_82 = arith.constant 0 : i32
      %cond3A_83 = arith.cmpi ne, %convert_element_type3A_81, %cond3A_82 : i32
      scf.if %cond3A_83 {
        %add3A_108 = arith.constant 1 : i32
        %add3A_109 = arith.addi %scan3A_73, %add3A_108 : i32
        %dma_start3A_110 = arith.constant 0 : i32
        %dma_start3A_111 = arith.constant 0 : i32
        %dma_start3A_112 = tpu.memref_slice %arg10[%sub3A_75, %dma_start3A_110, %dma_start3A_111] : memref<2x128x128xf32, #tpu.memory_space<vmem>> -> memref<1x128x128xf32, #tpu.memory_space<vmem>>
        %dma_start3A_113 = tpu.memref_squeeze %dma_start3A_112 : memref<1x128x128xf32, #tpu.memory_space<vmem>> -> memref<128x128xf32, #tpu.memory_space<vmem>>
        %dma_start3A_114 = arith.constant 0 : i32
        %dma_start3A_115 = tpu.memref_slice %arg8[%add3A_109, %dma_start3A_114] : memref<40x128xi32, #tpu.memory_space<vmem>> -> memref<1x128xi32, #tpu.memory_space<vmem>>
        %dma_start3A_116 = tpu.memref_squeeze %dma_start3A_115 : memref<1x128xi32, #tpu.memory_space<vmem>> -> memref<128xi32, #tpu.memory_space<vmem>>
        %dma_start3A_117 = arith.constant 0 : i32
        %dma_start3A_118 = arith.constant 0 : i32
        %dma_start3A_119 = tpu.memref_slice %arg2[%dma_start3A_117, %dma_start3A_118] : memref<10000x128xf32, #tpu.memory_space<hbm>> -> memref<10000x128xf32, #tpu.memory_space<hbm>>
        %dma_start3A_120 = tpu.memref_slice %arg11[%sub3A_75] : memref<2x!tpu.dma_semaphore, #tpu.memory_space<semaphore_mem>> -> memref<1x!tpu.dma_semaphore, #tpu.memory_space<semaphore_mem>>
        %dma_start3A_121 = tpu.memref_squeeze %dma_start3A_120 : memref<1x!tpu.dma_semaphore, #tpu.memory_space<semaphore_mem>> -> memref<!tpu.dma_semaphore, #tpu.memory_space<semaphore_mem>>
        tpu.enqueue_indirect_dma source(%dma_start3A_119 : memref<10000x128xf32, #tpu.memory_space<hbm>>) target(%dma_start3A_113 : memref<128x128xf32, #tpu.memory_space<vmem>>) offsets(%dma_start3A_116 : memref<128xi32, #tpu.memory_space<vmem>>) semaphore(%dma_start3A_121 : memref<!tpu.dma_semaphore, #tpu.memory_space<semaphore_mem>>)
      } else {
      }
      %dma_wait3A_84 = arith.constant 0 : i32
      %dma_wait3A_85 = arith.constant 0 : i32
      %dma_wait3A_86 = tpu.memref_slice %arg10[%rem3A_74, %dma_wait3A_84, %dma_wait3A_85] : memref<2x128x128xf32, #tpu.memory_space<vmem>> -> memref<1x128x128xf32, #tpu.memory_space<vmem>>
      %dma_wait3A_87 = tpu.memref_squeeze %dma_wait3A_86 : memref<1x128x128xf32, #tpu.memory_space<vmem>> -> memref<128x128xf32, #tpu.memory_space<vmem>>
      %dma_wait3A_88 = arith.constant 0 : i32
      %dma_wait3A_89 = tpu.memref_slice %arg8[%scan3A_73, %dma_wait3A_88] : memref<40x128xi32, #tpu.memory_space<vmem>> -> memref<1x128xi32, #tpu.memory_space<vmem>>
      %dma_wait3A_90 = tpu.memref_squeeze %dma_wait3A_89 : memref<1x128xi32, #tpu.memory_space<vmem>> -> memref<128xi32, #tpu.memory_space<vmem>>
      %dma_wait3A_91 = arith.constant 0 : i32
      %dma_wait3A_92 = arith.constant 0 : i32
      %dma_wait3A_93 = tpu.memref_slice %arg2[%dma_wait3A_91, %dma_wait3A_92] : memref<10000x128xf32, #tpu.memory_space<hbm>> -> memref<10000x128xf32, #tpu.memory_space<hbm>>
      %dma_wait3A_94 = tpu.memref_slice %arg11[%rem3A_74] : memref<2x!tpu.dma_semaphore, #tpu.memory_space<semaphore_mem>> -> memref<1x!tpu.dma_semaphore, #tpu.memory_space<semaphore_mem>>
      %dma_wait3A_95 = tpu.memref_squeeze %dma_wait3A_94 : memref<1x!tpu.dma_semaphore, #tpu.memory_space<semaphore_mem>> -> memref<!tpu.dma_semaphore, #tpu.memory_space<semaphore_mem>>
      tpu.wait_indirect_dma semaphore(%dma_wait3A_95 : memref<!tpu.dma_semaphore, #tpu.memory_space<semaphore_mem>>) src(%dma_wait3A_93 : memref<10000x128xf32, #tpu.memory_space<hbm>>) dst(%dma_wait3A_87 : memref<128x128xf32, #tpu.memory_space<vmem>>)
      %dma_start3A_96 = arith.constant 0 : i32
      %dma_start3A_97 = arith.constant 0 : i32
      %dma_start3A_98 = tpu.memref_slice %arg10[%rem3A_74, %dma_start3A_96, %dma_start3A_97] : memref<2x128x128xf32, #tpu.memory_space<vmem>> -> memref<1x128x128xf32, #tpu.memory_space<vmem>>
      %dma_start3A_99 = tpu.memref_squeeze %dma_start3A_98 : memref<1x128x128xf32, #tpu.memory_space<vmem>> -> memref<128x128xf32, #tpu.memory_space<vmem>>
      %dma_start3A_100 = arith.constant 0 : i32
      %dma_start3A_101 = tpu.memref_slice %arg9[%scan3A_73, %dma_start3A_100] : memref<40x128xi32, #tpu.memory_space<vmem>> -> memref<1x128xi32, #tpu.memory_space<vmem>>
      %dma_start3A_102 = tpu.memref_squeeze %dma_start3A_101 : memref<1x128xi32, #tpu.memory_space<vmem>> -> memref<128xi32, #tpu.memory_space<vmem>>
      %dma_start3A_103 = arith.constant 0 : i32
      %dma_start3A_104 = arith.constant 0 : i32
      %dma_start3A_105 = tpu.memref_slice %arg7[%dma_start3A_103, %dma_start3A_104] : memref<10240x128xf32, #tpu.memory_space<vmem_shared>> -> memref<10240x128xf32, #tpu.memory_space<vmem_shared>>
      %dma_start3A_106 = tpu.memref_slice %arg12[%rem3A_74] : memref<2x!tpu.dma_semaphore, #tpu.memory_space<semaphore_mem>> -> memref<1x!tpu.dma_semaphore, #tpu.memory_space<semaphore_mem>>
      %dma_start3A_107 = tpu.memref_squeeze %dma_start3A_106 : memref<1x!tpu.dma_semaphore, #tpu.memory_space<semaphore_mem>> -> memref<!tpu.dma_semaphore, #tpu.memory_space<semaphore_mem>>
      tpu.enqueue_indirect_dma source(%dma_start3A_99 : memref<128x128xf32, #tpu.memory_space<vmem>>) target(%dma_start3A_105 : memref<10240x128xf32, #tpu.memory_space<vmem_shared>>) offsets(%dma_start3A_102 : memref<128xi32, #tpu.memory_space<vmem>>) semaphore(%dma_start3A_107 : memref<!tpu.dma_semaphore, #tpu.memory_space<semaphore_mem>>) {add = true}
    }
    %scan3A_56 = arith.constant 40 : i32
    %dma_wait3A_57 = arith.constant 1 : i32
    %dma_wait3A_58 = arith.constant 39 : i32
    %dma_wait3A_59 = arith.constant 1 : i32
    %dma_wait3A_60 = arith.constant 0 : i32
    %dma_wait3A_61 = arith.constant 0 : i32
    %dma_wait3A_62 = tpu.memref_slice %arg10[%dma_wait3A_57, %dma_wait3A_60, %dma_wait3A_61] : memref<2x128x128xf32, #tpu.memory_space<vmem>> -> memref<1x128x128xf32, #tpu.memory_space<vmem>>
    %dma_wait3A_63 = tpu.memref_squeeze %dma_wait3A_62 : memref<1x128x128xf32, #tpu.memory_space<vmem>> -> memref<128x128xf32, #tpu.memory_space<vmem>>
    %dma_wait3A_64 = arith.constant 0 : i32
    %dma_wait3A_65 = tpu.memref_slice %arg9[%dma_wait3A_58, %dma_wait3A_64] : memref<40x128xi32, #tpu.memory_space<vmem>> -> memref<1x128xi32, #tpu.memory_space<vmem>>
    %dma_wait3A_66 = tpu.memref_squeeze %dma_wait3A_65 : memref<1x128xi32, #tpu.memory_space<vmem>> -> memref<128xi32, #tpu.memory_space<vmem>>
    %dma_wait3A_67 = arith.constant 0 : i32
    %dma_wait3A_68 = arith.constant 0 : i32
    %dma_wait3A_69 = tpu.memref_slice %arg7[%dma_wait3A_67, %dma_wait3A_68] : memref<10240x128xf32, #tpu.memory_space<vmem_shared>> -> memref<10240x128xf32, #tpu.memory_space<vmem_shared>>
    %dma_wait3A_70 = tpu.memref_slice %arg12[%dma_wait3A_59] : memref<2x!tpu.dma_semaphore, #tpu.memory_space<semaphore_mem>> -> memref<1x!tpu.dma_semaphore, #tpu.memory_space<semaphore_mem>>
    %dma_wait3A_71 = tpu.memref_squeeze %dma_wait3A_70 : memref<1x!tpu.dma_semaphore, #tpu.memory_space<semaphore_mem>> -> memref<!tpu.dma_semaphore, #tpu.memory_space<semaphore_mem>>
    tpu.wait_indirect_dma semaphore(%dma_wait3A_71 : memref<!tpu.dma_semaphore, #tpu.memory_space<semaphore_mem>>) src(%dma_wait3A_63 : memref<128x128xf32, #tpu.memory_space<vmem>>) dst(%dma_wait3A_69 : memref<10240x128xf32, #tpu.memory_space<vmem_shared>>)
    %barrier3A_72 = arith.constant 0 : index
    tpu.barrier barrier_id(%barrier3A_72)
    "tpu.region"() ({
      %run_scoped3A = tpu.sem_alloc : memref<!tpu.dma_semaphore, #tpu.memory_space<semaphore_mem>>
      %dma_start3A_73 = arith.constant 0 : i32
      %dma_start3A_74 = tpu.memref_slice %arg6[%arg0, %mul3A_2, %dma_start3A_73] : memref<2x10240x128xf32, #tpu.memory_space<hbm>> -> memref<1x640x128xf32, #tpu.memory_space<hbm>>
      %dma_start3A_75 = tpu.memref_squeeze %dma_start3A_74 : memref<1x640x128xf32, #tpu.memory_space<hbm>> -> memref<640x128xf32, #tpu.memory_space<hbm>>
      %dma_start3A_76 = arith.constant 0 : i32
      %dma_start3A_77 = tpu.memref_slice %arg7[%mul3A_2, %dma_start3A_76] : memref<10240x128xf32, #tpu.memory_space<vmem_shared>> -> memref<640x128xf32, #tpu.memory_space<vmem_shared>>
      tpu.enqueue_dma source(%dma_start3A_77 : memref<640x128xf32, #tpu.memory_space<vmem_shared>>) target(%dma_start3A_75 : memref<640x128xf32, #tpu.memory_space<hbm>>) target_semaphore(%run_scoped3A : memref<!tpu.dma_semaphore, #tpu.memory_space<semaphore_mem>>)
      %dma_wait3A_78 = arith.constant 0 : i32
      %dma_wait3A_79 = tpu.memref_slice %arg6[%arg0, %mul3A_2, %dma_wait3A_78] : memref<2x10240x128xf32, #tpu.memory_space<hbm>> -> memref<1x640x128xf32, #tpu.memory_space<hbm>>
      %dma_wait3A_80 = tpu.memref_squeeze %dma_wait3A_79 : memref<1x640x128xf32, #tpu.memory_space<hbm>> -> memref<640x128xf32, #tpu.memory_space<hbm>>
      %dma_wait3A_81 = arith.constant 0 : i32
      %dma_wait3A_82 = tpu.memref_slice %arg7[%mul3A_2, %dma_wait3A_81] : memref<10240x128xf32, #tpu.memory_space<vmem_shared>> -> memref<640x128xf32, #tpu.memory_space<vmem_shared>>
      tpu.wait_dma2 semaphore(%run_scoped3A : memref<!tpu.dma_semaphore, #tpu.memory_space<semaphore_mem>>) src(%dma_wait3A_82 : memref<640x128xf32, #tpu.memory_space<vmem_shared>>) dst(%dma_wait3A_80 : memref<640x128xf32, #tpu.memory_space<hbm>>)
      tpu.yield
    }) : () -> ()
    return
  }
}

module attributes {stable_mosaic.version = 14 : i64} {
  func.func @_tc_mm1_body(%arg0: i32, %arg1: memref<400x128xf32, #tpu.memory_space<vmem>>, %arg2: memref<128x128xf32, #tpu.memory_space<vmem>>, %arg3: memref<2x400x128xf32, #tpu.memory_space<vmem>>, %arg4: memref<400x128xf32, #tpu.memory_space<vmem>>, %arg5: memref<400x8xf32, #tpu.memory_space<vmem>>) attributes {dimension_semantics = [#tpu.dimension_semantics<arbitrary>], iteration_bounds = array<i64: 25>, scalar_prefetch = 0 : i64, scratch_operands = 0 : i64, tpu.core_type = #tpu.core_type<tc>, window_params = [{transform_indices = @transform_0, window_bounds = array<i64: 400, 128>}, {pipeline_mode = #tpu.pipeline_mode<synchronous>, transform_indices = @transform_1, window_bounds = array<i64: 128, 128>}, {transform_indices = @transform_2, window_bounds = array<i64: 2, 400, 128>}, {transform_indices = @transform_3, window_bounds = array<i64: 400, 128>}, {transform_indices = @transform_4, window_bounds = array<i64: 400, 8>}]} {
    %get3A = arith.constant 0 : index
    %get3A_0 = arith.constant 0 : index
    %get3A_1 = arith.constant 0 : index
    %get3A_2 = vector.load %arg3[%get3A, %get3A_0, %get3A_1] : memref<2x400x128xf32, #tpu.memory_space<vmem>>, vector<1x400x1xf32>
    %get3A_3 = vector.shape_cast %get3A_2 : vector<1x400x1xf32> to vector<400x1xf32>
    %get3A_4 = arith.constant 1 : index
    %get3A_5 = arith.constant 0 : index
    %get3A_6 = arith.constant 0 : index
    %get3A_7 = vector.load %arg3[%get3A_4, %get3A_5, %get3A_6] : memref<2x400x128xf32, #tpu.memory_space<vmem>>, vector<1x400x1xf32>
    %get3A_8 = vector.shape_cast %get3A_7 : vector<1x400x1xf32> to vector<400x1xf32>
    %add3A = arith.addf %get3A_3, %get3A_8 : vector<400x1xf32>
    %add3A_9 = arith.constant 1.000000e+00 : f32
    %add3A_10 = vector.broadcast %add3A_9 : f32 to vector<400x1xf32>
    %add3A_11 = arith.addf %add3A, %add3A_10 : vector<400x1xf32>
    %rsqrt3A = math.rsqrt %add3A_11 : vector<400x1xf32>
    %get3A_12 = arith.constant 0 : index
    %get3A_13 = arith.constant 0 : index
    %get3A_14 = vector.load %arg1[%get3A_12, %get3A_13] : memref<400x128xf32, #tpu.memory_space<vmem>>, vector<400x128xf32>
    %get3A_15 = arith.constant 0 : index
    %get3A_16 = arith.constant 0 : index
    %get3A_17 = vector.load %arg2[%get3A_15, %get3A_16] : memref<128x128xf32, #tpu.memory_space<vmem>>, vector<128x128xf32>
    %dot_general3A = arith.constant dense<0.000000e+00> : vector<400x128xf32>
    %dot_general3A_18 = tpu.matmul %get3A_14, %get3A_17, %dot_general3A {dimension_numbers = #tpu.dot_dimension_numbers<[1], [0], [0], [1], [0, 0, 1, 1], [], []>, transpose_lhs_hint = false} : vector<400x128xf32>, vector<128x128xf32>, vector<400x128xf32> -> vector<400x128xf32>
    %mul3A = vector.broadcast %rsqrt3A : vector<400x1xf32> to vector<400x128xf32>
    %mul3A_19 = arith.mulf %dot_general3A_18, %mul3A : vector<400x128xf32>
    %swap3A = arith.constant 0 : index
    %swap3A_20 = arith.constant 0 : index
    %swap3A_21 = vector.load %arg4[%swap3A, %swap3A_20] : memref<400x128xf32, #tpu.memory_space<vmem>>, vector<400x128xf32>
    tpu.vector_store %arg4[%swap3A, %swap3A_20], %mul3A_19 {strides = array<i32>} : memref<400x128xf32, #tpu.memory_space<vmem>>, vector<400x128xf32>,
    %broadcast_in_dim3A = vector.shape_cast %rsqrt3A : vector<400x1xf32> to vector<400x1xf32>
    %broadcast_in_dim3A_22 = vector.broadcast %broadcast_in_dim3A : vector<400x1xf32> to vector<400x8xf32>
    %swap3A_23 = arith.constant 0 : index
    %swap3A_24 = arith.constant 0 : index
    %swap3A_25 = vector.load %arg5[%swap3A_23, %swap3A_24] : memref<400x8xf32, #tpu.memory_space<vmem>>, vector<400x8xf32>
    tpu.vector_store %arg5[%swap3A_23, %swap3A_24], %broadcast_in_dim3A_22 {strides = array<i32>} : memref<400x8xf32, #tpu.memory_space<vmem>>, vector<400x8xf32>,
    return
  }
  func.func @transform_0(%arg0: i32) -> (i32, i32) {
    %c0_i32 = arith.constant 0 : i32
    %c0_i32_0 = arith.constant 0 : i32
    return %arg0, %c0_i32 : i32, i32
  }
  func.func @transform_1(%arg0: i32) -> (i32, i32) {
    %c0_i32 = arith.constant 0 : i32
    %c0_i32_0 = arith.constant 0 : i32
    %c0_i32_1 = arith.constant 0 : i32
    return %c0_i32, %c0_i32_0 : i32, i32
  }
  func.func @transform_2(%arg0: i32) -> (i32, i32, i32) {
    %c0_i32 = arith.constant 0 : i32
    %c0_i32_0 = arith.constant 0 : i32
    %c0_i32_1 = arith.constant 0 : i32
    return %c0_i32, %arg0, %c0_i32_0 : i32, i32, i32
  }
  func.func @transform_3(%arg0: i32) -> (i32, i32) {
    %c0_i32 = arith.constant 0 : i32
    %c0_i32_0 = arith.constant 0 : i32
    return %arg0, %c0_i32 : i32, i32
  }
  func.func @transform_4(%arg0: i32) -> (i32, i32) {
    %c0_i32 = arith.constant 0 : i32
    %c0_i32_0 = arith.constant 0 : i32
    return %arg0, %c0_i32 : i32, i32
  }
}

module attributes {stable_mosaic.version = 14 : i64} {
  func.func @_tc_mm2_body(%arg0: i32, %arg1: memref<2x400x128xf32, #tpu.memory_space<vmem>>, %arg2: memref<400x128xf32, #tpu.memory_space<vmem>>, %arg3: memref<400x8xf32, #tpu.memory_space<vmem>>, %arg4: memref<1x128xf32, #tpu.memory_space<vmem>>, %arg5: memref<128x128xf32, #tpu.memory_space<vmem>>, %arg6: memref<400x128xf32, #tpu.memory_space<vmem>>) attributes {dimension_semantics = [#tpu.dimension_semantics<arbitrary>], iteration_bounds = array<i64: 25>, scalar_prefetch = 0 : i64, scratch_operands = 0 : i64, tpu.core_type = #tpu.core_type<tc>, window_params = [{transform_indices = @transform_0, window_bounds = array<i64: 2, 400, 128>}, {transform_indices = @transform_1, window_bounds = array<i64: 400, 128>}, {transform_indices = @transform_2, window_bounds = array<i64: 400, 8>}, {pipeline_mode = #tpu.pipeline_mode<synchronous>, transform_indices = @transform_3, window_bounds = array<i64: 1, 128>}, {pipeline_mode = #tpu.pipeline_mode<synchronous>, transform_indices = @transform_4, window_bounds = array<i64: 128, 128>}, {transform_indices = @transform_5, window_bounds = array<i64: 400, 128>}]} {
    %get3A = arith.constant 0 : index
    %get3A_0 = arith.constant 0 : index
    %get3A_1 = vector.load %arg3[%get3A, %get3A_0] : memref<400x8xf32, #tpu.memory_space<vmem>>, vector<400x1xf32>
    %get3A_2 = arith.constant 0 : index
    %get3A_3 = arith.constant 0 : index
    %get3A_4 = arith.constant 0 : index
    %get3A_5 = vector.load %arg1[%get3A_2, %get3A_3, %get3A_4] : memref<2x400x128xf32, #tpu.memory_space<vmem>>, vector<1x400x128xf32>
    %get3A_6 = vector.shape_cast %get3A_5 : vector<1x400x128xf32> to vector<400x128xf32>
    %get3A_7 = arith.constant 1 : index
    %get3A_8 = arith.constant 0 : index
    %get3A_9 = arith.constant 0 : index
    %get3A_10 = vector.load %arg1[%get3A_7, %get3A_8, %get3A_9] : memref<2x400x128xf32, #tpu.memory_space<vmem>>, vector<1x400x128xf32>
    %get3A_11 = vector.shape_cast %get3A_10 : vector<1x400x128xf32> to vector<400x128xf32>
    %add3A = arith.addf %get3A_6, %get3A_11 : vector<400x128xf32>
    %get3A_12 = arith.constant 0 : index
    %get3A_13 = arith.constant 0 : index
    %get3A_14 = vector.load %arg2[%get3A_12, %get3A_13] : memref<400x128xf32, #tpu.memory_space<vmem>>, vector<400x128xf32>
    %add3A_15 = arith.addf %add3A, %get3A_14 : vector<400x128xf32>
    %mul3A = vector.broadcast %get3A_1 : vector<400x1xf32> to vector<400x128xf32>
    %mul3A_16 = arith.mulf %mul3A, %add3A_15 : vector<400x128xf32>
    %get3A_17 = arith.constant 0 : index
    %get3A_18 = arith.constant 0 : index
    %get3A_19 = vector.load %arg4[%get3A_17, %get3A_18] : memref<1x128xf32, #tpu.memory_space<vmem>>, vector<1x128xf32>
    %add3A_20 = vector.broadcast %get3A_19 : vector<1x128xf32> to vector<400x128xf32>
    %add3A_21 = arith.addf %mul3A_16, %add3A_20 : vector<400x128xf32>
    %max3A = arith.constant 0.000000e+00 : f32
    %max3A_22 = vector.broadcast %max3A : f32 to vector<400x128xf32>
    %max3A_23 = arith.maximumf %add3A_21, %max3A_22 : vector<400x128xf32>
    %get3A_24 = arith.constant 0 : index
    %get3A_25 = arith.constant 0 : index
    %get3A_26 = vector.load %arg5[%get3A_24, %get3A_25] : memref<128x128xf32, #tpu.memory_space<vmem>>, vector<128x128xf32>
    %dot_general3A = arith.constant dense<0.000000e+00> : vector<400x128xf32>
    %dot_general3A_27 = tpu.matmul %max3A_23, %get3A_26, %dot_general3A {dimension_numbers = #tpu.dot_dimension_numbers<[1], [0], [0], [1], [0, 0, 1, 1], [], []>, transpose_lhs_hint = false} : vector<400x128xf32>, vector<128x128xf32>, vector<400x128xf32> -> vector<400x128xf32>
    %mul3A_28 = vector.broadcast %get3A_1 : vector<400x1xf32> to vector<400x128xf32>
    %mul3A_29 = arith.mulf %dot_general3A_27, %mul3A_28 : vector<400x128xf32>
    %swap3A = arith.constant 0 : index
    %swap3A_30 = arith.constant 0 : index
    %swap3A_31 = vector.load %arg6[%swap3A, %swap3A_30] : memref<400x128xf32, #tpu.memory_space<vmem>>, vector<400x128xf32>
    tpu.vector_store %arg6[%swap3A, %swap3A_30], %mul3A_29 {strides = array<i32>} : memref<400x128xf32, #tpu.memory_space<vmem>>, vector<400x128xf32>,
    return
  }
  func.func @transform_0(%arg0: i32) -> (i32, i32, i32) {
    %c0_i32 = arith.constant 0 : i32
    %c0_i32_0 = arith.constant 0 : i32
    %c0_i32_1 = arith.constant 0 : i32
    return %c0_i32, %arg0, %c0_i32_0 : i32, i32, i32
  }
  func.func @transform_1(%arg0: i32) -> (i32, i32) {
    %c0_i32 = arith.constant 0 : i32
    %c0_i32_0 = arith.constant 0 : i32
    return %arg0, %c0_i32 : i32, i32
  }
  func.func @transform_2(%arg0: i32) -> (i32, i32) {
    %c0_i32 = arith.constant 0 : i32
    %c0_i32_0 = arith.constant 0 : i32
    return %arg0, %c0_i32 : i32, i32
  }
  func.func @transform_3(%arg0: i32) -> (i32, i32) {
    %c0_i32 = arith.constant 0 : i32
    %c0_i32_0 = arith.constant 0 : i32
    %c0_i32_1 = arith.constant 0 : i32
    return %c0_i32, %c0_i32_0 : i32, i32
  }
  func.func @transform_4(%arg0: i32) -> (i32, i32) {
    %c0_i32 = arith.constant 0 : i32
    %c0_i32_0 = arith.constant 0 : i32
    %c0_i32_1 = arith.constant 0 : i32
    return %c0_i32, %c0_i32_0 : i32, i32
  }
  func.func @transform_5(%arg0: i32) -> (i32, i32) {
    %c0_i32 = arith.constant 0 : i32
    %c0_i32_0 = arith.constant 0 : i32
    return %arg0, %c0_i32 : i32, i32
  }
}

module attributes {stable_mosaic.version = 14 : i64} {
  func.func @_tc_comb_body(%arg0: i32, %arg1: memref<2x400x128xf32, #tpu.memory_space<vmem>>, %arg2: memref<400x128xf32, #tpu.memory_space<vmem>>, %arg3: memref<400x8xf32, #tpu.memory_space<vmem>>, %arg4: memref<1x128xf32, #tpu.memory_space<vmem>>, %arg5: memref<400x128xf32, #tpu.memory_space<vmem>>) attributes {dimension_semantics = [#tpu.dimension_semantics<arbitrary>], iteration_bounds = array<i64: 25>, scalar_prefetch = 0 : i64, scratch_operands = 0 : i64, tpu.core_type = #tpu.core_type<tc>, window_params = [{transform_indices = @transform_0, window_bounds = array<i64: 2, 400, 128>}, {transform_indices = @transform_1, window_bounds = array<i64: 400, 128>}, {transform_indices = @transform_2, window_bounds = array<i64: 400, 8>}, {pipeline_mode = #tpu.pipeline_mode<synchronous>, transform_indices = @transform_3, window_bounds = array<i64: 1, 128>}, {transform_indices = @transform_4, window_bounds = array<i64: 400, 128>}]} {
    %get3A = arith.constant 0 : index
    %get3A_0 = arith.constant 0 : index
    %get3A_1 = vector.load %arg3[%get3A, %get3A_0] : memref<400x8xf32, #tpu.memory_space<vmem>>, vector<400x1xf32>
    %get3A_2 = arith.constant 0 : index
    %get3A_3 = arith.constant 0 : index
    %get3A_4 = arith.constant 0 : index
    %get3A_5 = vector.load %arg1[%get3A_2, %get3A_3, %get3A_4] : memref<2x400x128xf32, #tpu.memory_space<vmem>>, vector<1x400x128xf32>
    %get3A_6 = vector.shape_cast %get3A_5 : vector<1x400x128xf32> to vector<400x128xf32>
    %get3A_7 = arith.constant 1 : index
    %get3A_8 = arith.constant 0 : index
    %get3A_9 = arith.constant 0 : index
    %get3A_10 = vector.load %arg1[%get3A_7, %get3A_8, %get3A_9] : memref<2x400x128xf32, #tpu.memory_space<vmem>>, vector<1x400x128xf32>
    %get3A_11 = vector.shape_cast %get3A_10 : vector<1x400x128xf32> to vector<400x128xf32>
    %add3A = arith.addf %get3A_6, %get3A_11 : vector<400x128xf32>
    %get3A_12 = arith.constant 0 : index
    %get3A_13 = arith.constant 0 : index
    %get3A_14 = vector.load %arg2[%get3A_12, %get3A_13] : memref<400x128xf32, #tpu.memory_space<vmem>>, vector<400x128xf32>
    %add3A_15 = arith.addf %add3A, %get3A_14 : vector<400x128xf32>
    %mul3A = vector.broadcast %get3A_1 : vector<400x1xf32> to vector<400x128xf32>
    %mul3A_16 = arith.mulf %mul3A, %add3A_15 : vector<400x128xf32>
    %get3A_17 = arith.constant 0 : index
    %get3A_18 = arith.constant 0 : index
    %get3A_19 = vector.load %arg4[%get3A_17, %get3A_18] : memref<1x128xf32, #tpu.memory_space<vmem>>, vector<1x128xf32>
    %add3A_20 = vector.broadcast %get3A_19 : vector<1x128xf32> to vector<400x128xf32>
    %add3A_21 = arith.addf %mul3A_16, %add3A_20 : vector<400x128xf32>
    %swap3A = arith.constant 0 : index
    %swap3A_22 = arith.constant 0 : index
    %swap3A_23 = vector.load %arg5[%swap3A, %swap3A_22] : memref<400x128xf32, #tpu.memory_space<vmem>>, vector<400x128xf32>
    tpu.vector_store %arg5[%swap3A, %swap3A_22], %add3A_21 {strides = array<i32>} : memref<400x128xf32, #tpu.memory_space<vmem>>, vector<400x128xf32>,
    return
  }
  func.func @transform_0(%arg0: i32) -> (i32, i32, i32) {
    %c0_i32 = arith.constant 0 : i32
    %c0_i32_0 = arith.constant 0 : i32
    %c0_i32_1 = arith.constant 0 : i32
    return %c0_i32, %arg0, %c0_i32_0 : i32, i32, i32
  }
  func.func @transform_1(%arg0: i32) -> (i32, i32) {
    %c0_i32 = arith.constant 0 : i32
    %c0_i32_0 = arith.constant 0 : i32
    return %arg0, %c0_i32 : i32, i32
  }
  func.func @transform_2(%arg0: i32) -> (i32, i32) {
    %c0_i32 = arith.constant 0 : i32
    %c0_i32_0 = arith.constant 0 : i32
    return %arg0, %c0_i32 : i32, i32
  }
  func.func @transform_3(%arg0: i32) -> (i32, i32) {
    %c0_i32 = arith.constant 0 : i32
    %c0_i32_0 = arith.constant 0 : i32
    %c0_i32_1 = arith.constant 0 : i32
    return %c0_i32, %c0_i32_0 : i32, i32
  }
  func.func @transform_4(%arg0: i32) -> (i32, i32) {
    %c0_i32 = arith.constant 0 : i32
    %c0_i32_0 = arith.constant 0 : i32
    return %arg0, %c0_i32 : i32, i32
  }
}

</mosaic_0001>

<sc_bundles>
// kernel: kernel.11.cloned.1.call-start
scs
__scs_entry_jumppad:
0x0: {  	(pc) =	sbr.rel $0x88, $3  }
0x1: {  	(tag) =	ssettag $0x0;
	lr =	simm.s32 $0x1  }
0x2: {  	[smem:$0x3F9B] =	sst lr;
	_ =	strace $0xD0000000  }
0x3: {  	_ = 	snop  }
0x4: {  	_ = 	snop  }
0x5: {  	_ = 	snop  }
0x6: {  	_ = 	snop  }
0x7: {  	_ = 	snop  }
__scs_overlays_trampoline_lowered:
0x8: {  	[smem:$0x3FAA] =	sst s0  }
0x9: {  	[smem:$0x3FAB] =	sst s1  }
0xa: {  	[smem:$0x3FAC] =	sst s2  }
0xb: {  	[smem:$0x3FAD] =	sst s3  }
0xc: {  	[smem:$0x3FAE] =	sst s4  }
0xd: {  	[smem:$0x3FAF] =	sst s5  }
0xe: {  	[smem:$0x3FB0] =	sst s6  }
0xf: {  	[smem:$0x3FB1] =	sst s7  }
0x10: {  	[smem:$0x3FB2] =	sst s8  }
0x11: {  	[smem:$0x3FB3] =	sst s9;
	s0 =	simm.s32 @!p0 $0x0  }
0x12: {  	s1 =	sld [smem:$0x3F99];
	s0 =	simm.s32 @p0 $0x1  }
0x13: {  	[smem:$0x3FB4] =	sst s0;
	s0 =	simm.s32 @!p1 $0x0  }
0x14: {  	s2 =	sld [smem:$0x3F98];
	s0 =	simm.s32 @p1 $0x1  }
0x15: {  	[smem:$0x3FB5] =	sst s0;
	s0 =	simm.s32 @!p2 $0x0  }
0x16: {  	s3 =	sld [smem:$0x3FDB];
	s0 =	simm.s32 @p2 $0x1  }
0x17: {  	s4 =	simm.s32 $0x1BF5;
	[smem:$0x3FB7] =	sst s0  }
0x18: {  	s0 =	sld [smem:$0x3F9A];
	_ =	swait.ge [sflag:s4], $0x0  }
0x19: {  	s7 =	sld [smem:$0x3F9B]  }
0x1a: {  	s8 =	sadd.s32 $0xFFFFE003, lr  }
0x1b: {  	s9 =	sadd.s32 $0xFFFFFEF7, lr;
	s5 =	simm.s32 $0xFFFFFFFF;
	p2 =	slt.u32 s8, $0xFFFFF086  }
0x1c: {  	p1 =	slt.u32 s9, $0xF7A;
	s5 =	simm.s32 @!p2 $0x0  }
0x1d: {  	s5 =	simm.s32 @p1 $0x1;
	p0 =	seq.s32 s7, s2  }
0x1e: {  	s7 =	smul.u32 @!p0 $0xF7A, s2;
	p2 =	seq.s32 @!p0 s5, $0x0  }
0x1f: {  	s9 =	smul.u32 $0xF7A, s1;
	s8 =	simm.s32 @!p0 $0x1BF5;
	p2 =	por !p2, p0  }
0x20: {  	[sflag:s8] =	ssyncset.s32 @!p0 $0xFFFFF086;
	s6 =	sadd.s32 @!p0 s3, s7;
	s7 =	simm.s32 @!p0 $0x108  }
0x21: {  	s3 =	sadd.s32 s3, s9;
	s6 =	sadd.s32 @!p0 $0x88, s6;
	s7 =	simm.s32 @p2 $0x1082  }
0x22: {  	[simem:s7], [sflag:s8] =	dma.local @!p0 [hbm:s6], $0xF7A  }
0x23: {  	s9 =	sor.u32 $0xD0000000, s2;
	s6 =	simm.s32 $0x108;
	_ =	swait.ge @!p0 [sflag:s8], $0x0  }
0x24: {  	s3 =	sadd.s32 $0x88, s3;
	s6 =	simm.s32 @!p1 $0x1082;
	[sflag:s4] =	ssyncset.s32 $0xFFFFF086  }
0x25: {  	[simem:s6], [sflag:s4] =	dma.local [hbm:s3], $0xF7A  }
0x26: {  	[smem:$0x3F9B] =	sst s1;
	(tag) =	ssettag s2;
	_ =	strace s9  }
0x27: {  	s1 =	sld [smem:$0x3FAB]  }
0x28: {  	s2 =	sld [smem:$0x3FAC]  }
0x29: {  	s4 =	sld [smem:$0x3FAE]  }
0x2a: {  	p0 =	seq.s32 s5, $0x0;
	s5 =	sld [smem:$0x3FAF]  }
0x2b: {  	s6 =	sld [smem:$0x3FB0]  }
0x2c: {  	s7 =	sld [smem:$0x3FB1]  }
0x2d: {  	s3 =	simm.s32 $0x108;
	s8 =	sld [smem:$0x3FB2]  }
0x2e: {  	s3 =	simm.s32 @!p0 $0x1082;
	s9 =	sld [smem:$0x3FB3]  }
0x2f: {  	lr =	sadd.s32 s0, s3;
	s0 =	sld [smem:$0x3FAA]  }
0x30: {  	s3 =	sld [smem:$0x3FAD]  }
0x31: {  	[smem:$0x3FB6] =	sst s10  }
0x32: {  	s10 =	sld [smem:$0x3FB4];
	_ =	sdelay $0x3  }
0x33: {  	p0 =	seq.s32 s10, $0x1;
	s10 =	sld [smem:$0x3FB6];
	_ =	sdelay $0x3  }
0x34: {  	[smem:$0x3FB6] =	sst s10  }
0x35: {  	s10 =	sld [smem:$0x3FB5];
	_ =	sdelay $0x3  }
0x36: {  	p1 =	seq.s32 s10, $0x1;
	s10 =	sld [smem:$0x3FB6];
	_ =	sdelay $0x3  }
0x37: {  	[smem:$0x3FB6] =	sst s10  }
0x38: {  	s10 =	sld [smem:$0x3FB7]  }
0x39: {  	_ = 	snop;
	(pc) =	sbr.ind lr, $3  }
0x3a: {  	_ = 	snop  }
0x3b: {  	_ = 	snop  }
0x3c: {  	p2 =	seq.s32 s10, $0x1;
	s10 =	sld [smem:$0x3FB6]  }
0x3d: {  	_ =	shalt  }
0x3e: {  	_ =	shalt  }
0x3f: {  	_ =	shalt  }
0x40: {  	_ =	shalt  }
0x41: {  	_ =	shalt  }
0x42: {  	_ =	shalt  }
0x43: {  	_ =	shalt  }
0x44: {  	_ =	shalt  }
0x45: {  	_ =	shalt  }
0x46: {  	_ =	shalt  }
0x47: {  	_ =	shalt  }
0x48: {  	_ =	shalt  }
0x49: {  	_ =	shalt  }
0x4a: {  	_ =	shalt  }
0x4b: {  	_ =	shalt  }
0x4c: {  	_ =	shalt  }
0x4d: {  	_ =	shalt  }
0x4e: {  	_ =	shalt  }
0x4f: {  	_ =	shalt  }
0x50: {  	_ =	shalt  }
0x51: {  	_ =	shalt  }
0x52: {  	_ =	shalt  }
0x53: {  	_ =	shalt  }
0x54: {  	_ =	shalt  }
0x55: {  	_ =	shalt  }
0x56: {  	_ =	shalt  }
0x57: {  	_ =	shalt  }
0x58: {  	_ =	shalt  }
0x59: {  	_ =	shalt  }
0x5a: {  	_ =	shalt  }
0x5b: {  	_ =	shalt  }
0x5c: {  	_ =	shalt  }
0x5d: {  	_ =	shalt  }
0x5e: {  	_ =	shalt  }
0x5f: {  	_ =	shalt  }
0x60: {  	_ =	shalt  }
0x61: {  	_ =	shalt  }
0x62: {  	_ =	shalt  }
0x63: {  	_ =	shalt  }
0x64: {  	_ =	shalt  }
0x65: {  	_ =	shalt  }
0x66: {  	_ =	shalt  }
0x67: {  	_ =	shalt  }
0x68: {  	_ =	shalt  }
0x69: {  	_ =	shalt  }
0x6a: {  	_ =	shalt  }
0x6b: {  	_ =	shalt  }
0x6c: {  	_ =	shalt  }
0x6d: {  	_ =	shalt  }
0x6e: {  	_ =	shalt  }
0x6f: {  	_ =	shalt  }
0x70: {  	_ =	shalt  }
0x71: {  	_ =	shalt  }
0x72: {  	_ =	shalt  }
0x73: {  	_ =	shalt  }
0x74: {  	_ =	shalt  }
0x75: {  	_ =	shalt  }
0x76: {  	_ =	shalt  }
0x77: {  	_ =	shalt  }
0x78: {  	_ =	shalt  }
0x79: {  	_ =	shalt  }
0x7a: {  	_ =	shalt  }
0x7b: {  	_ =	shalt  }
0x7c: {  	_ =	shalt  }
0x7d: {  	_ =	shalt  }
0x7e: {  	_ =	shalt  }
0x7f: {  	_ =	shalt  }
0x80: {  	_ =	shalt  }
0x81: {  	_ =	shalt  }
0x82: {  	_ =	shalt  }
0x83: {  	_ =	shalt  }
0x84: {  	_ =	shalt  }
0x85: {  	_ =	shalt  }
0x86: {  	_ =	shalt  }
0x87: {  	_ =	shalt  }
.Lfunc_end0:
.L_simem_size_0:
called_computation.1_lowered:
.L_overlay_start_0:
0x88: {  	s2 =	sld [smem:$0x3FD9]  }
0x89: {  	s3 =	sld [smem:$0x3FFE];
	_ =	sdelay $0x1  }
0x8a: {  	s1 =	srdreg.scid  }
0x8b: {  	s0 =	sand.u32 $0x1, s1  }
0x8c: {  	s17 =	sshll.u32 s0, $0xA;
	s2 =	sadd.s32 s3, s2  }
0x8d: {  	s2 =	sadd.s32 s2, s17  }
0x8e: {  	[smem:$0x3FC2] =	sst s2  }
0x8f: {  	_ = 	snop  }
0x90: {  	s2 =	sld [smem:$0x3FD0];
	(tm) =	ssettm $0x1  }
0x91: {  	s18 =	sld [smem:$0x3FFB];
	_ =	sdelay $0x3  }
0x92: {  	_ =	strace s18  }
0x93: {  	s3 =	sld [smem:$0x3FFC];
	_ =	sdelay $0x3  }
0x94: {  	_ =	strace s3  }
0x95: {  	s3 =	sld [smem:$0x3FFD];
	_ =	sdelay $0x3  }
0x96: {  	_ =	strace s3  }
0x97: {  	_ =	strace $0x8FFFFFFF  }
0x98: {  	s19 =	sld [smem:$0x3FDB];
	_ =	sdelay $0x1  }
0x99: {  	s4 =	simm.s32 $_scs_section_size  }
0x9a: {  	s5 =	simm.s32 $_size__tile_overlayer_lowered;
	s6 =	simm.s32 $_tile_overlayer_lowered  }
0x9b: {  	s22 =	simm.s32 $0x1BFF;
	s21 =	sshll.u32 s6, $0x1;
	s3 =	sadd.s32 s4, s19  }
0x9c: {  	s7 =	simm.s32 $0x0;
	s20 =	sshll.u32 s5, $0x1;
	s5 =	sadd.s32 s21, s3  }
0x9d: {  	[timem:s7], [sflag:s22] =	dma.local [hbm:s5], s20  }
0x9e: {  	_ =	swait.ge [sflag:s22], s20  }
0x9f: {  	s4 =	ssub.s32 $0x0, s20;
	[sflag:s22] =	ssyncset.done $0x0  }
0xa0: {  	[sflag:s22] =	ssyncadd.s32 s4;
	_ =	sdelay $0x1  }
0xa1: {  	s23 =	simm.s32 $0x1B8B  }
0xa2: {  	_ =	swait.ge [sflag:s23], $0x1  }
0xa3: {  	[sflag:s23] =	ssyncset.done $0x0  }
0xa4: {  	s25 =	simm.s32 $0x1B8E;
	s24 =	sld [smem:$0x3FFE];
	[sflag:s23] =	ssyncadd.s32 $0xFFFFFFFF  }
0xa5: {  	s26 =	simm.s32 $execute0_lowered;
	[smem:$0x3FD2] =	sst s25  }
0xa6: {  	s5 =	sshll.u32 s26, $0x1;
	_ =	strace $0x80000049;
	[dreg:$0x1] =	wrdreg $0xFFFFFFFF  }
0xa7: {  	s28 =	simm.s32 $_size_execute0_lowered;
	s3 =	sadd.s32 s3, s5;
	[dreg:$0x0] =	wrdreg $0x0  }
0xa8: {  	s5 =	sshll.u32 s28, $0x1;
	[dreg:$0x2] =	wrdreg s3  }
0xa9: {  	[dreg:$0x3] =	wrdreg s5  }
0xaa: {  	[dreg:$0x4] =	wrdreg $0xC0  }
0xab: {  	_ =	task [dreg:s7], $0x5FFFF  }
0xac: {  	[dreg:$0x1] =	wrdreg $0xFFFFFFFF  }
0xad: {  	[dreg:$0x0] =	wrdreg $0x60  }
0xae: {  	[dreg:$0x2] =	wrdreg s2  }
0xaf: {  	[dreg:$0x3] =	wrdreg s24  }
0xb0: {  	[dreg:$0x4] =	wrdreg $0x0  }
0xb1: {  	[dreg:$0x5] =	wrdreg $0x9  }
0xb2: {  	_ =	task.clear_ibuf [dreg:s7], $0x6FFFF;
	_ =	strace $0x90000049  }
0xb3: {  	s29 =	simm.s32 $0x9;
	_ =	strace $0x8000004B  }
0xb4: {  	_ =	swait.ge [sflag:s29], $0x1  }
0xb5: {  	[sflag:s29] =	ssyncadd.s32 $0xFFFFFFFF  }
0xb6: {  	_ =	strace $0x9000004B  }
0xb7: {  	_ =	sfence  }
0xb8: {  	s30 =	sld [smem:$0x0];
	_ =	sdelay $0x2  }
0xb9: {  	s31 =	sshll.u32 s1, $0xD;
	s1 =	sshrl.u32 s1, $0x2  }
0xba: {  	s3 =	sand.u32 $0x4000, s31;
	s1 =	sadd.s32 s1, s30  }
0xbb: {  	s0 =	sor.u32 s3, s0;
	s1 =	sshll.u32 s1, $0x11  }
0xbc: {  	s0 =	sor.u32 s1, s0  }
0xbd: {  	s0 =	sadd.s32 $0x8F2B, s0  }
0xbe: {  	[sflag:s0] =	ssyncadd.remote.s32 $0x1  }
0xbf: {  	_ =	sfence.sel $0xFFFF  }
0xc0: {  	[dreg:$0x0] =	wrdreg $0xFFFFFFFF;
	(pc) =	sbr.abs _section_cstart, $3  }
0xc1: {  	[dreg:$0x1] =	wrdreg $0xFFFFFFFF  }
0xc2: {  	_ =	task.clear_ibuf [dreg:s7], $0x2FFFF;
	_ =	strace $0x9FFFFFFF  }
0xc3: {  	(tm) =	ssettm $0x7FFFFFFF  }
tec
execute0_lowered:
.L_overlay_start_1:
0x0: {  	(tag) =	ssettag $0x1  }
0x1: {  	s2 =	rddreg [dreg:$0x0]  }
0x2: {  	s5 =	rddreg [dreg:$0x1]  }
0x3: {  	s3 =	rddreg [dreg:$0x2]  }
0x4: {  	s0 =	rddreg [dreg:$0x3]  }
0x5: {  	s1 =	stileid.u32;
	s6 =	srdreg.scid  }
0x6: {  	s4 =	simm.s32 $0x0;
	s16 =	simm.s32 $0x15400;
	s17 =	simm.s32 $0x80  }
0x7: {  	s18 =	simm.s32 $0x16800;
	s19 =	simm.s32 $0x4;
	s20 =	simm.s32 $0x0  }
0x8: {  	s7 =	smul.u32 $0x14000, s1;
	s6 =	sand.u32 $0x1, s6;
	[smem:$0x7FF] =	sst s4  }
0x9: {  	s9 =	sadd.s32 $0xC800, s5;
	s11 =	sadd.s32 $0x2800, s5;
	s26 =	smul.u32 $0x50000, s1  }
0xa: {  	s12 =	sshll.u32 s1, $0x1;
	s30 =	sshll.u32 s1, $0x6;
	s8 =	smul.u32 $0x140000, s6  }
0xb: {  	_ =	strace $0x8000004A;
	s28 =	ssub.s32 $0x2, s6;
	s6 =	sor.u32 s6, s12  }
0xc: {  	s10 =	sshrl.u32 s7, $0x3;
	s29 =	sshrl.u32 s28, $0x1;
	s12 =	smul.u32 $0x2800, s6  }
0xd: {  	s6 =	sor.u32 $0x1C05, s30;
	s10 =	sadd.s32 s10, s5;
	s7 =	sadd.s32 s7, s8  }
0xe: {  	s8 =	sshrl.u32 s26, $0x2;
	s14 =	ssub.s32 s28, s29;
	s7 =	sshrl.u32 s7, $0x3  }
.Ltmp0:
0xf: {  	s15 =	sadd.s32 s8, s3;
	s31 =	sshrl.u32 s12, $0x3;
	(pc) =	sbr.rel .LBB2_1-.Ltmp0, $4  }
0x10: {  	s12 =	smax.u32 s14, $0x1;
	s14 =	simm.s32 $0x5;
	s13 =	sadd.s32 s7, s5  }
0x11: {  	s5 =	sadd.s32 $0x16800, s10;
	s7 =	sadd.s32 s9, s31;
	s10 =	sadd.s32 $0x280, s31  }
0x12: {  	s8 =	sadd.s32 s11, s31;
	s9 =	sadd.s32 s9, s10;
	s10 =	sadd.s32 s11, s10  }
0x13: {  	s11 =	sadd.s32 $0x3E800, s13;
	s13 =	sshrl.u32 s15, $0x3;
	s15 =	simm.s32 $0x14000  }
.LBB2_9:
0x14: {  	_ =	swait.ge [sflag:s19], $0x4000  }
0x15: {  	s20 =	sadd.s32 $0x1, s20;
	[sflag:s19] =	ssyncset.done $0x0  }
0x16: {  	p0 =	sne.s32 s20, s12;
	[sflag:s19] =	ssyncadd.s32 $0xFFFFC000  }
.Ltmp1:
0x17: {  	[bflag:$0x0] =	sbarrier.arrive $0xFFFF;
	(pc) =	sbr.rel @!p0 .LBB2_10-.Ltmp1, $4  }
0x18: {  	[hbm:s11], [sflag:s6] =	dma.local [spmem:s13], $0x2800  }
0x19: {  	_ =	swait.ge [sflag:s14], $0x2800  }
0x1a: {  	[sflag:s14] =	ssyncset.done $0x0  }
0x1b: {  	[sflag:s14] =	ssyncadd.s32 $0xFFFFD800  }
.LBB2_1:
0x1c: {  	[spmem:s13], [sflag:s6] =	dma.local [hbm:s5], $0x2800  }
0x1d: {  	_ =	swait.ge [sflag:s14], $0x2800  }
0x1e: {  	[sflag:s14] =	ssyncset.done $0x0  }
0x1f: {  	[sflag:s14] =	ssyncadd.s32 $0xFFFFD800  }
0x20: {  	[bflag:$0x0] =	sbarrier.arrive $0xFFFF  }
0x21: {  	[tilespmem:s15], [sflag:$0x5] =	stream.linear.gather [hbm4b:s7+s4], $0x1400, $0x38;
	[tilespmem:$0x1E800] =	vst v63  }
0x22: {  	_ =	swait.ge [sflag:s14], $0x1400  }
0x23: {  	[sflag:s14] =	ssyncset.done $0x0  }
0x24: {  	[sflag:s14] =	ssyncadd.s32 $0xFFFFEC00  }
0x25: {  	[tilespmem:s16], [sflag:$0x5] =	stream.linear.gather [hbm4b:s8+s4], $0x1400, $0x38;
	[tilespmem:$0x1E800] =	vst v63  }
.Ltmp2:
0x26: {  	_ = 	snop;
	(pc) =	sbr.rel .LBB2_2-.Ltmp2, $4  }
0x27: {  	_ =	swait.ge [sflag:s14], $0x1400  }
0x28: {  	[sflag:s14] =	ssyncset.done $0x0  }
0x29: {  	s22 =	simm.s32 $0x0;
	[sflag:s14] =	ssyncadd.s32 $0xFFFFEC00  }
0x2a: {  	[tilespmem:s18], [sflag:$0x1] =	stream.indirect.gather [hbm4b:s2+s17], $0x80, s15, s17, $0xb8;
	[tilespmem:$0x1E800] =	vst v63  }
.LBB2_4:
0x2b: {  	s24 =	sadd.s32 $0x1, s21;
	s25 =	sshll.u32 s21, $0xE;
	p0 =	slt.u32 s23, $0x28  }
.Ltmp3:
0x2c: {  	s22 =	sshll.u32 s22, $0x7;
	_ =	swait.ge [sflag:s24], $0x4000;
	(pc) =	sbr.rel @!p0 .LBB2_5-.Ltmp3, $4  }
0x2d: {  	s31 =	sadd.s32 $0x3, s21;
	s22 =	sand.u32 $0x3FFFFF80, s22;
	[sflag:s24] =	ssyncset.done $0x0  }
0x2e: {  	s25 =	sadd.s32 $0x16800, s25;
	s22 =	sadd.s32 $0x15400, s22;
	[sflag:s24] =	ssyncadd.s32 $0xFFFFC000  }
0x2f: {  	[spmem:s3] =	stream.indirect.scatter.add.f32 [tilespmem:s25], [sflag:s31], $0x80, s22, s17, $0xb8;
	[tilespmem:$0x1E800] =	vst v63  }
0x30: {  	s22 =	smov.u32 s23  }
.LBB2_2:
0x31: {  	p0 =	seq.s32 s22, $0x0  }
0x32: {  	p1 =	seq.s32 @!p0 s22, $0x27  }
0x33: {  	s21 =	sand.u32 $0x1, s22;
	p1 =	por p0, !p1  }
.Ltmp4:
0x34: {  	s24 =	sxor.u32 $0x1, s21;
	(pc) =	sbr.rel @!p1 .LBB2_4-.Ltmp4, $4  }
0x35: {  	s23 =	sadd.s32 @!p0 $0x3, s24  }
0x36: {  	_ =	swait.ge @!p0 [sflag:s23], $0x4000  }
0x37: {  	[sflag:s23] =	ssyncset.done @!p0 $0x0  }
0x38: {  	[sflag:s23] =	ssyncadd.s32 @!p0 $0xFFFFC000;
	s23 =	simm.s32 @!p0 $0x28  }
0x39: {  	s23 =	sadd.s32 @!p0 $0x1, s22  }
.Ltmp5:
0x3a: {  	s23 =	simm.s32 @p0 $0x1;
	(pc) =	sbr.rel .LBB2_4-.Ltmp5, $4  }
0x3b: {  	s25 =	sshll.u32 s23, $0x7  }
0x3c: {  	s26 =	sshll.u32 s24, $0xE;
	s25 =	sand.u32 $0x3FFFFF80, s25  }
0x3d: {  	s31 =	sadd.s32 $0x1, s24;
	s26 =	sadd.s32 $0x16800, s26;
	s25 =	sadd.s32 $0x14000, s25  }
0x3e: {  	[tilespmem:s26], [sflag:s31] =	stream.indirect.gather [hbm4b:s2+s17], $0x80, s25, s17, $0xb8;
	[tilespmem:$0x1E800] =	vst v63  }
.LBB2_5:
0x3f: {  	_ =	swait.ge [sflag:s19], $0x4000  }
0x40: {  	[sflag:s19] =	ssyncset.done $0x0  }
0x41: {  	s21 =	simm.s32 $0x0;
	[sflag:s19] =	ssyncadd.s32 $0xFFFFC000  }
0x42: {  	[tilespmem:s15], [sflag:$0x5] =	stream.linear.gather [hbm4b:s9+s21], $0x1400, $0x38;
	[tilespmem:$0x1E800] =	vst v63  }
0x43: {  	_ =	swait.ge [sflag:s14], $0x1400  }
0x44: {  	[sflag:s14] =	ssyncset.done $0x0  }
0x45: {  	[sflag:s14] =	ssyncadd.s32 $0xFFFFEC00  }
0x46: {  	[tilespmem:s16], [sflag:$0x5] =	stream.linear.gather [hbm4b:s10+s21], $0x1400, $0x38;
	[tilespmem:$0x1E800] =	vst v63  }
.Ltmp6:
0x47: {  	_ = 	snop;
	(pc) =	sbr.rel .LBB2_6-.Ltmp6, $4  }
0x48: {  	_ =	swait.ge [sflag:s14], $0x1400  }
0x49: {  	[sflag:s14] =	ssyncset.done $0x0  }
0x4a: {  	[sflag:s14] =	ssyncadd.s32 $0xFFFFEC00  }
0x4b: {  	[tilespmem:s18], [sflag:$0x1] =	stream.indirect.gather [hbm4b:s2+s17], $0x80, s15, s17, $0xb8;
	[tilespmem:$0x1E800] =	vst v63  }
.LBB2_8:
0x4c: {  	s24 =	sadd.s32 $0x1, s22;
	s25 =	sshll.u32 s22, $0xE;
	p0 =	slt.u32 s23, $0x28  }
.Ltmp7:
0x4d: {  	s21 =	sshll.u32 s21, $0x7;
	_ =	swait.ge [sflag:s24], $0x4000;
	(pc) =	sbr.rel @!p0 .LBB2_9-.Ltmp7, $4  }
0x4e: {  	s31 =	sadd.s32 $0x3, s22;
	s21 =	sand.u32 $0x3FFFFF80, s21;
	[sflag:s24] =	ssyncset.done $0x0  }
0x4f: {  	s25 =	sadd.s32 $0x16800, s25;
	s21 =	sadd.s32 $0x15400, s21;
	[sflag:s24] =	ssyncadd.s32 $0xFFFFC000  }
0x50: {  	[spmem:s3] =	stream.indirect.scatter.add.f32 [tilespmem:s25], [sflag:s31], $0x80, s21, s17, $0xb8;
	[tilespmem:$0x1E800] =	vst v63  }
0x51: {  	s21 =	smov.u32 s23  }
.LBB2_6:
0x52: {  	p0 =	seq.s32 s21, $0x0  }
0x53: {  	p1 =	seq.s32 @!p0 s21, $0x27  }
0x54: {  	s22 =	sand.u32 $0x1, s21;
	p1 =	por p0, !p1  }
.Ltmp8:
0x55: {  	s24 =	sxor.u32 $0x1, s22;
	(pc) =	sbr.rel @!p1 .LBB2_8-.Ltmp8, $4  }
0x56: {  	s23 =	sadd.s32 @!p0 $0x3, s24  }
0x57: {  	_ =	swait.ge @!p0 [sflag:s23], $0x4000  }
0x58: {  	[sflag:s23] =	ssyncset.done @!p0 $0x0  }
0x59: {  	[sflag:s23] =	ssyncadd.s32 @!p0 $0xFFFFC000;
	s23 =	simm.s32 @!p0 $0x28  }
0x5a: {  	s23 =	sadd.s32 @!p0 $0x1, s21  }
.Ltmp9:
0x5b: {  	s23 =	simm.s32 @p0 $0x1;
	(pc) =	sbr.rel .LBB2_8-.Ltmp9, $4  }
0x5c: {  	s25 =	sshll.u32 s23, $0x7  }
0x5d: {  	s26 =	sshll.u32 s24, $0xE;
	s25 =	sand.u32 $0x3FFFFF80, s25  }
0x5e: {  	s31 =	sadd.s32 $0x1, s24;
	s26 =	sadd.s32 $0x16800, s26;
	s25 =	sadd.s32 $0x14000, s25  }
0x5f: {  	[tilespmem:s26], [sflag:s31] =	stream.indirect.gather [hbm4b:s2+s17], $0x80, s25, s17, $0xb8;
	[tilespmem:$0x1E800] =	vst v63  }
.LBB2_10:
0x60: {  	_ =	sfence.sel $0x180000  }
0x61: {  	[bflag:$0x0] =	sbarrier.arrive $0xFFFF  }
0x62: {  	p0 =	sne.s32 s1, $0x0;
	_ =	strace $0x9000004A  }
0x63: {  	s0 =	sadd.s32 @!p0 $0x100000, s0;
	[bflag:$0x2] =	sbarrier.arrive $0xFFFF  }
0x64: {  	[sflag:s0] =	ssyncadd.tile.s32 @!p0 $0x1;
	_ =	shalt  }
.Lfunc_end2:
_tile_overlayer_lowered:
.L_overlay_start_2:
0x65: {  	(tag) =	ssettag $0x2  }
0x66: {  	s0 =	rddreg [dreg:$0x0];
	s2 =	stileid.u32  }
0x67: {  	s1 =	rddreg [dreg:$0x1];
	p0 =	sne.s32 s2, $0x0  }
0x68: {  	s3 =	rddreg [dreg:$0x2];
	[bflag:$0x3] =	sbarrier.arrive $0xFFFF;
	s2 =	simm.s32 @!p0 $0x1C05  }
0x69: {  	[timem:s3], [sflag:s2] =	dma.local @!p0 [hbm:s0], s1  }
0x6a: {  	s0 =	simm.s32 @!p0 $0x5  }
0x6b: {  	_ =	swait.ge @!p0 [sflag:s0], s1  }
0x6c: {  	s1 =	ssub.s32 @!p0 $0x0, s1;
	[sflag:s0] =	ssyncset.done @!p0 $0x0  }
0x6d: {  	[sflag:s0] =	ssyncadd.s32 @!p0 s1  }
0x6e: {  	[bflag:$0x3] =	sbarrier.arrive $0xFFFF  }
0x6f: {  	_ =	shalt  }

// kernel: kernel.14.cloned.1.call-start
scs
__scs_entry_jumppad:
0x0: {  	(pc) =	sbr.rel $0x88, $3  }
0x1: {  	(tag) =	ssettag $0x0;
	lr =	simm.s32 $0x1  }
0x2: {  	[smem:$0x3F9B] =	sst lr;
	_ =	strace $0xD0000000  }
0x3: {  	_ = 	snop  }
0x4: {  	_ = 	snop  }
0x5: {  	_ = 	snop  }
0x6: {  	_ = 	snop  }
0x7: {  	_ = 	snop  }
__scs_overlays_trampoline_lowered:
0x8: {  	[smem:$0x3FAA] =	sst s0  }
0x9: {  	[smem:$0x3FAB] =	sst s1  }
0xa: {  	[smem:$0x3FAC] =	sst s2  }
0xb: {  	[smem:$0x3FAD] =	sst s3  }
0xc: {  	[smem:$0x3FAE] =	sst s4  }
0xd: {  	[smem:$0x3FAF] =	sst s5  }
0xe: {  	[smem:$0x3FB0] =	sst s6  }
0xf: {  	[smem:$0x3FB1] =	sst s7  }
0x10: {  	[smem:$0x3FB2] =	sst s8  }
0x11: {  	[smem:$0x3FB3] =	sst s9;
	s0 =	simm.s32 @!p0 $0x0  }
0x12: {  	s1 =	sld [smem:$0x3F99];
	s0 =	simm.s32 @p0 $0x1  }
0x13: {  	[smem:$0x3FB4] =	sst s0;
	s0 =	simm.s32 @!p1 $0x0  }
0x14: {  	s2 =	sld [smem:$0x3F98];
	s0 =	simm.s32 @p1 $0x1  }
0x15: {  	[smem:$0x3FB5] =	sst s0;
	s0 =	simm.s32 @!p2 $0x0  }
0x16: {  	s3 =	sld [smem:$0x3FDB];
	s0 =	simm.s32 @p2 $0x1  }
0x17: {  	s4 =	simm.s32 $0x1BF5;
	[smem:$0x3FB7] =	sst s0  }
0x18: {  	s0 =	sld [smem:$0x3F9A];
	_ =	swait.ge [sflag:s4], $0x0  }
0x19: {  	s7 =	sld [smem:$0x3F9B]  }
0x1a: {  	s8 =	sadd.s32 $0xFFFFE003, lr  }
0x1b: {  	s9 =	sadd.s32 $0xFFFFFEF7, lr;
	s5 =	simm.s32 $0xFFFFFFFF;
	p2 =	slt.u32 s8, $0xFFFFF086  }
0x1c: {  	p1 =	slt.u32 s9, $0xF7A;
	s5 =	simm.s32 @!p2 $0x0  }
0x1d: {  	s5 =	simm.s32 @p1 $0x1;
	p0 =	seq.s32 s7, s2  }
0x1e: {  	s7 =	smul.u32 @!p0 $0xF7A, s2;
	p2 =	seq.s32 @!p0 s5, $0x0  }
0x1f: {  	s9 =	smul.u32 $0xF7A, s1;
	s8 =	simm.s32 @!p0 $0x1BF5;
	p2 =	por !p2, p0  }
0x20: {  	[sflag:s8] =	ssyncset.s32 @!p0 $0xFFFFF086;
	s6 =	sadd.s32 @!p0 s3, s7;
	s7 =	simm.s32 @!p0 $0x108  }
0x21: {  	s3 =	sadd.s32 s3, s9;
	s6 =	sadd.s32 @!p0 $0x88, s6;
	s7 =	simm.s32 @p2 $0x1082  }
0x22: {  	[simem:s7], [sflag:s8] =	dma.local @!p0 [hbm:s6], $0xF7A  }
0x23: {  	s9 =	sor.u32 $0xD0000000, s2;
	s6 =	simm.s32 $0x108;
	_ =	swait.ge @!p0 [sflag:s8], $0x0  }
0x24: {  	s3 =	sadd.s32 $0x88, s3;
	s6 =	simm.s32 @!p1 $0x1082;
	[sflag:s4] =	ssyncset.s32 $0xFFFFF086  }
0x25: {  	[simem:s6], [sflag:s4] =	dma.local [hbm:s3], $0xF7A  }
0x26: {  	[smem:$0x3F9B] =	sst s1;
	(tag) =	ssettag s2;
	_ =	strace s9  }
0x27: {  	s1 =	sld [smem:$0x3FAB]  }
0x28: {  	s2 =	sld [smem:$0x3FAC]  }
0x29: {  	s4 =	sld [smem:$0x3FAE]  }
0x2a: {  	p0 =	seq.s32 s5, $0x0;
	s5 =	sld [smem:$0x3FAF]  }
0x2b: {  	s6 =	sld [smem:$0x3FB0]  }
0x2c: {  	s7 =	sld [smem:$0x3FB1]  }
0x2d: {  	s3 =	simm.s32 $0x108;
	s8 =	sld [smem:$0x3FB2]  }
0x2e: {  	s3 =	simm.s32 @!p0 $0x1082;
	s9 =	sld [smem:$0x3FB3]  }
0x2f: {  	lr =	sadd.s32 s0, s3;
	s0 =	sld [smem:$0x3FAA]  }
0x30: {  	s3 =	sld [smem:$0x3FAD]  }
0x31: {  	[smem:$0x3FB6] =	sst s10  }
0x32: {  	s10 =	sld [smem:$0x3FB4];
	_ =	sdelay $0x3  }
0x33: {  	p0 =	seq.s32 s10, $0x1;
	s10 =	sld [smem:$0x3FB6];
	_ =	sdelay $0x3  }
0x34: {  	[smem:$0x3FB6] =	sst s10  }
0x35: {  	s10 =	sld [smem:$0x3FB5];
	_ =	sdelay $0x3  }
0x36: {  	p1 =	seq.s32 s10, $0x1;
	s10 =	sld [smem:$0x3FB6];
	_ =	sdelay $0x3  }
0x37: {  	[smem:$0x3FB6] =	sst s10  }
0x38: {  	s10 =	sld [smem:$0x3FB7]  }
0x39: {  	_ = 	snop;
	(pc) =	sbr.ind lr, $3  }
0x3a: {  	_ = 	snop  }
0x3b: {  	_ = 	snop  }
0x3c: {  	p2 =	seq.s32 s10, $0x1;
	s10 =	sld [smem:$0x3FB6]  }
0x3d: {  	_ =	shalt  }
0x3e: {  	_ =	shalt  }
0x3f: {  	_ =	shalt  }
0x40: {  	_ =	shalt  }
0x41: {  	_ =	shalt  }
0x42: {  	_ =	shalt  }
0x43: {  	_ =	shalt  }
0x44: {  	_ =	shalt  }
0x45: {  	_ =	shalt  }
0x46: {  	_ =	shalt  }
0x47: {  	_ =	shalt  }
0x48: {  	_ =	shalt  }
0x49: {  	_ =	shalt  }
0x4a: {  	_ =	shalt  }
0x4b: {  	_ =	shalt  }
0x4c: {  	_ =	shalt  }
0x4d: {  	_ =	shalt  }
0x4e: {  	_ =	shalt  }
0x4f: {  	_ =	shalt  }
0x50: {  	_ =	shalt  }
0x51: {  	_ =	shalt  }
0x52: {  	_ =	shalt  }
0x53: {  	_ =	shalt  }
0x54: {  	_ =	shalt  }
0x55: {  	_ =	shalt  }
0x56: {  	_ =	shalt  }
0x57: {  	_ =	shalt  }
0x58: {  	_ =	shalt  }
0x59: {  	_ =	shalt  }
0x5a: {  	_ =	shalt  }
0x5b: {  	_ =	shalt  }
0x5c: {  	_ =	shalt  }
0x5d: {  	_ =	shalt  }
0x5e: {  	_ =	shalt  }
0x5f: {  	_ =	shalt  }
0x60: {  	_ =	shalt  }
0x61: {  	_ =	shalt  }
0x62: {  	_ =	shalt  }
0x63: {  	_ =	shalt  }
0x64: {  	_ =	shalt  }
0x65: {  	_ =	shalt  }
0x66: {  	_ =	shalt  }
0x67: {  	_ =	shalt  }
0x68: {  	_ =	shalt  }
0x69: {  	_ =	shalt  }
0x6a: {  	_ =	shalt  }
0x6b: {  	_ =	shalt  }
0x6c: {  	_ =	shalt  }
0x6d: {  	_ =	shalt  }
0x6e: {  	_ =	shalt  }
0x6f: {  	_ =	shalt  }
0x70: {  	_ =	shalt  }
0x71: {  	_ =	shalt  }
0x72: {  	_ =	shalt  }
0x73: {  	_ =	shalt  }
0x74: {  	_ =	shalt  }
0x75: {  	_ =	shalt  }
0x76: {  	_ =	shalt  }
0x77: {  	_ =	shalt  }
0x78: {  	_ =	shalt  }
0x79: {  	_ =	shalt  }
0x7a: {  	_ =	shalt  }
0x7b: {  	_ =	shalt  }
0x7c: {  	_ =	shalt  }
0x7d: {  	_ =	shalt  }
0x7e: {  	_ =	shalt  }
0x7f: {  	_ =	shalt  }
0x80: {  	_ =	shalt  }
0x81: {  	_ =	shalt  }
0x82: {  	_ =	shalt  }
0x83: {  	_ =	shalt  }
0x84: {  	_ =	shalt  }
0x85: {  	_ =	shalt  }
0x86: {  	_ =	shalt  }
0x87: {  	_ =	shalt  }
.Lfunc_end0:
.L_simem_size_0:
called_computation.2_lowered:
.L_overlay_start_0:
0x88: {  	s2 =	sld [smem:$0x3FD9]  }
0x89: {  	s3 =	sld [smem:$0x3FFE];
	_ =	sdelay $0x1  }
0x8a: {  	s1 =	srdreg.scid  }
0x8b: {  	s0 =	sand.u32 $0x1, s1  }
0x8c: {  	s17 =	sshll.u32 s0, $0xA;
	s2 =	sadd.s32 s3, s2  }
0x8d: {  	s2 =	sadd.s32 s2, s17  }
0x8e: {  	[smem:$0x3FC2] =	sst s2  }
0x8f: {  	_ = 	snop  }
0x90: {  	s2 =	sld [smem:$0x3FD0];
	(tm) =	ssettm $0x1  }
0x91: {  	s18 =	sld [smem:$0x3FFB];
	_ =	sdelay $0x3  }
0x92: {  	_ =	strace s18  }
0x93: {  	s3 =	sld [smem:$0x3FFC];
	_ =	sdelay $0x3  }
0x94: {  	_ =	strace s3  }
0x95: {  	s3 =	sld [smem:$0x3FFD];
	_ =	sdelay $0x3  }
0x96: {  	_ =	strace s3  }
0x97: {  	_ =	strace $0x8FFFFFFF  }
0x98: {  	s19 =	sld [smem:$0x3FDB];
	_ =	sdelay $0x1  }
0x99: {  	s4 =	simm.s32 $_scs_section_size  }
0x9a: {  	s5 =	simm.s32 $_size__tile_overlayer_lowered;
	s6 =	simm.s32 $_tile_overlayer_lowered  }
0x9b: {  	s22 =	simm.s32 $0x1BFF;
	s21 =	sshll.u32 s6, $0x1;
	s3 =	sadd.s32 s4, s19  }
0x9c: {  	s7 =	simm.s32 $0x0;
	s20 =	sshll.u32 s5, $0x1;
	s5 =	sadd.s32 s21, s3  }
0x9d: {  	[timem:s7], [sflag:s22] =	dma.local [hbm:s5], s20  }
0x9e: {  	_ =	swait.ge [sflag:s22], s20  }
0x9f: {  	s4 =	ssub.s32 $0x0, s20;
	[sflag:s22] =	ssyncset.done $0x0  }
0xa0: {  	[sflag:s22] =	ssyncadd.s32 s4;
	_ =	sdelay $0x1  }
0xa1: {  	s23 =	simm.s32 $0x1B8B  }
0xa2: {  	_ =	swait.ge [sflag:s23], $0x1  }
0xa3: {  	[sflag:s23] =	ssyncset.done $0x0  }
0xa4: {  	s25 =	simm.s32 $0x1B8E;
	s24 =	sld [smem:$0x3FFE];
	[sflag:s23] =	ssyncadd.s32 $0xFFFFFFFF  }
0xa5: {  	s26 =	simm.s32 $execute0_lowered;
	[smem:$0x3FD2] =	sst s25  }
0xa6: {  	s5 =	sshll.u32 s26, $0x1;
	_ =	strace $0x8000004C;
	[dreg:$0x1] =	wrdreg $0xFFFFFFFF  }
0xa7: {  	s28 =	simm.s32 $_size_execute0_lowered;
	s3 =	sadd.s32 s3, s5;
	[dreg:$0x0] =	wrdreg $0x0  }
0xa8: {  	s5 =	sshll.u32 s28, $0x1;
	[dreg:$0x2] =	wrdreg s3  }
0xa9: {  	[dreg:$0x3] =	wrdreg s5  }
0xaa: {  	[dreg:$0x4] =	wrdreg $0xC0  }
0xab: {  	_ =	task [dreg:s7], $0x5FFFF  }
0xac: {  	[dreg:$0x1] =	wrdreg $0xFFFFFFFF  }
0xad: {  	[dreg:$0x0] =	wrdreg $0x60  }
0xae: {  	[dreg:$0x2] =	wrdreg s2  }
0xaf: {  	[dreg:$0x3] =	wrdreg s24  }
0xb0: {  	[dreg:$0x4] =	wrdreg $0x0  }
0xb1: {  	[dreg:$0x5] =	wrdreg $0x9  }
0xb2: {  	_ =	task.clear_ibuf [dreg:s7], $0x6FFFF;
	_ =	strace $0x9000004C  }
0xb3: {  	s29 =	simm.s32 $0x9;
	_ =	strace $0x8000004E  }
0xb4: {  	_ =	swait.ge [sflag:s29], $0x1  }
0xb5: {  	[sflag:s29] =	ssyncadd.s32 $0xFFFFFFFF  }
0xb6: {  	_ =	strace $0x9000004E  }
0xb7: {  	_ =	sfence  }
0xb8: {  	s30 =	sld [smem:$0x0];
	_ =	sdelay $0x2  }
0xb9: {  	s31 =	sshll.u32 s1, $0xD;
	s1 =	sshrl.u32 s1, $0x2  }
0xba: {  	s3 =	sand.u32 $0x4000, s31;
	s1 =	sadd.s32 s1, s30  }
0xbb: {  	s0 =	sor.u32 s3, s0;
	s1 =	sshll.u32 s1, $0x11  }
0xbc: {  	s0 =	sor.u32 s1, s0  }
0xbd: {  	s0 =	sadd.s32 $0x8F2B, s0  }
0xbe: {  	[sflag:s0] =	ssyncadd.remote.s32 $0x1  }
0xbf: {  	_ =	sfence.sel $0xFFFF  }
0xc0: {  	[dreg:$0x0] =	wrdreg $0xFFFFFFFF;
	(pc) =	sbr.abs _section_cstart, $3  }
0xc1: {  	[dreg:$0x1] =	wrdreg $0xFFFFFFFF  }
0xc2: {  	_ =	task.clear_ibuf [dreg:s7], $0x2FFFF;
	_ =	strace $0x9FFFFFFF  }
0xc3: {  	(tm) =	ssettm $0x7FFFFFFF  }
tec
execute0_lowered:
.L_overlay_start_1:
0x0: {  	(tag) =	ssettag $0x1  }
0x1: {  	s2 =	rddreg [dreg:$0x0]  }
0x2: {  	s5 =	rddreg [dreg:$0x1]  }
0x3: {  	s3 =	rddreg [dreg:$0x2]  }
0x4: {  	s0 =	rddreg [dreg:$0x3]  }
0x5: {  	s1 =	stileid.u32;
	s6 =	srdreg.scid  }
0x6: {  	s4 =	simm.s32 $0x0;
	s16 =	simm.s32 $0x15400;
	s17 =	simm.s32 $0x80  }
0x7: {  	s18 =	simm.s32 $0x16800;
	s19 =	simm.s32 $0x4;
	s20 =	simm.s32 $0x0  }
0x8: {  	s7 =	smul.u32 $0x14000, s1;
	s6 =	sand.u32 $0x1, s6;
	[smem:$0x7FF] =	sst s4  }
0x9: {  	s9 =	sadd.s32 $0xC800, s5;
	s11 =	sadd.s32 $0x2800, s5;
	s26 =	smul.u32 $0x50000, s1  }
0xa: {  	s12 =	sshll.u32 s1, $0x1;
	s30 =	sshll.u32 s1, $0x6;
	s8 =	smul.u32 $0x140000, s6  }
0xb: {  	_ =	strace $0x8000004D;
	s28 =	ssub.s32 $0x2, s6;
	s6 =	sor.u32 s6, s12  }
0xc: {  	s10 =	sshrl.u32 s7, $0x3;
	s29 =	sshrl.u32 s28, $0x1;
	s12 =	smul.u32 $0x2800, s6  }
0xd: {  	s6 =	sor.u32 $0x1C05, s30;
	s10 =	sadd.s32 s10, s5;
	s7 =	sadd.s32 s7, s8  }
0xe: {  	s8 =	sshrl.u32 s26, $0x2;
	s14 =	ssub.s32 s28, s29;
	s7 =	sshrl.u32 s7, $0x3  }
.Ltmp0:
0xf: {  	s15 =	sadd.s32 s8, s3;
	s31 =	sshrl.u32 s12, $0x3;
	(pc) =	sbr.rel .LBB2_1-.Ltmp0, $4  }
0x10: {  	s12 =	smax.u32 s14, $0x1;
	s14 =	simm.s32 $0x5;
	s13 =	sadd.s32 s7, s5  }
0x11: {  	s5 =	sadd.s32 $0x16800, s10;
	s7 =	sadd.s32 s9, s31;
	s10 =	sadd.s32 $0x280, s31  }
0x12: {  	s8 =	sadd.s32 s11, s31;
	s9 =	sadd.s32 s9, s10;
	s10 =	sadd.s32 s11, s10  }
0x13: {  	s11 =	sadd.s32 $0x3E800, s13;
	s13 =	sshrl.u32 s15, $0x3;
	s15 =	simm.s32 $0x14000  }
.LBB2_9:
0x14: {  	_ =	swait.ge [sflag:s19], $0x4000  }
0x15: {  	s20 =	sadd.s32 $0x1, s20;
	[sflag:s19] =	ssyncset.done $0x0  }
0x16: {  	p0 =	sne.s32 s20, s12;
	[sflag:s19] =	ssyncadd.s32 $0xFFFFC000  }
.Ltmp1:
0x17: {  	[bflag:$0x0] =	sbarrier.arrive $0xFFFF;
	(pc) =	sbr.rel @!p0 .LBB2_10-.Ltmp1, $4  }
0x18: {  	[hbm:s11], [sflag:s6] =	dma.local [spmem:s13], $0x2800  }
0x19: {  	_ =	swait.ge [sflag:s14], $0x2800  }
0x1a: {  	[sflag:s14] =	ssyncset.done $0x0  }
0x1b: {  	[sflag:s14] =	ssyncadd.s32 $0xFFFFD800  }
.LBB2_1:
0x1c: {  	[spmem:s13], [sflag:s6] =	dma.local [hbm:s5], $0x2800  }
0x1d: {  	_ =	swait.ge [sflag:s14], $0x2800  }
0x1e: {  	[sflag:s14] =	ssyncset.done $0x0  }
0x1f: {  	[sflag:s14] =	ssyncadd.s32 $0xFFFFD800  }
0x20: {  	[bflag:$0x0] =	sbarrier.arrive $0xFFFF  }
0x21: {  	[tilespmem:s15], [sflag:$0x5] =	stream.linear.gather [hbm4b:s7+s4], $0x1400, $0x38;
	[tilespmem:$0x1E800] =	vst v63  }
0x22: {  	_ =	swait.ge [sflag:s14], $0x1400  }
0x23: {  	[sflag:s14] =	ssyncset.done $0x0  }
0x24: {  	[sflag:s14] =	ssyncadd.s32 $0xFFFFEC00  }
0x25: {  	[tilespmem:s16], [sflag:$0x5] =	stream.linear.gather [hbm4b:s8+s4], $0x1400, $0x38;
	[tilespmem:$0x1E800] =	vst v63  }
.Ltmp2:
0x26: {  	_ = 	snop;
	(pc) =	sbr.rel .LBB2_2-.Ltmp2, $4  }
0x27: {  	_ =	swait.ge [sflag:s14], $0x1400  }
0x28: {  	[sflag:s14] =	ssyncset.done $0x0  }
0x29: {  	s22 =	simm.s32 $0x0;
	[sflag:s14] =	ssyncadd.s32 $0xFFFFEC00  }
0x2a: {  	[tilespmem:s18], [sflag:$0x1] =	stream.indirect.gather [hbm4b:s2+s17], $0x80, s15, s17, $0xb8;
	[tilespmem:$0x1E800] =	vst v63  }
.LBB2_4:
0x2b: {  	s24 =	sadd.s32 $0x1, s21;
	s25 =	sshll.u32 s21, $0xE;
	p0 =	slt.u32 s23, $0x28  }
.Ltmp3:
0x2c: {  	s22 =	sshll.u32 s22, $0x7;
	_ =	swait.ge [sflag:s24], $0x4000;
	(pc) =	sbr.rel @!p0 .LBB2_5-.Ltmp3, $4  }
0x2d: {  	s31 =	sadd.s32 $0x3, s21;
	s22 =	sand.u32 $0x3FFFFF80, s22;
	[sflag:s24] =	ssyncset.done $0x0  }
0x2e: {  	s25 =	sadd.s32 $0x16800, s25;
	s22 =	sadd.s32 $0x15400, s22;
	[sflag:s24] =	ssyncadd.s32 $0xFFFFC000  }
0x2f: {  	[spmem:s3] =	stream.indirect.scatter.add.f32 [tilespmem:s25], [sflag:s31], $0x80, s22, s17, $0xb8;
	[tilespmem:$0x1E800] =	vst v63  }
0x30: {  	s22 =	smov.u32 s23  }
.LBB2_2:
0x31: {  	p0 =	seq.s32 s22, $0x0  }
0x32: {  	p1 =	seq.s32 @!p0 s22, $0x27  }
0x33: {  	s21 =	sand.u32 $0x1, s22;
	p1 =	por p0, !p1  }
.Ltmp4:
0x34: {  	s24 =	sxor.u32 $0x1, s21;
	(pc) =	sbr.rel @!p1 .LBB2_4-.Ltmp4, $4  }
0x35: {  	s23 =	sadd.s32 @!p0 $0x3, s24  }
0x36: {  	_ =	swait.ge @!p0 [sflag:s23], $0x4000  }
0x37: {  	[sflag:s23] =	ssyncset.done @!p0 $0x0  }
0x38: {  	[sflag:s23] =	ssyncadd.s32 @!p0 $0xFFFFC000;
	s23 =	simm.s32 @!p0 $0x28  }
0x39: {  	s23 =	sadd.s32 @!p0 $0x1, s22  }
.Ltmp5:
0x3a: {  	s23 =	simm.s32 @p0 $0x1;
	(pc) =	sbr.rel .LBB2_4-.Ltmp5, $4  }
0x3b: {  	s25 =	sshll.u32 s23, $0x7  }
0x3c: {  	s26 =	sshll.u32 s24, $0xE;
	s25 =	sand.u32 $0x3FFFFF80, s25  }
0x3d: {  	s31 =	sadd.s32 $0x1, s24;
	s26 =	sadd.s32 $0x16800, s26;
	s25 =	sadd.s32 $0x14000, s25  }
0x3e: {  	[tilespmem:s26], [sflag:s31] =	stream.indirect.gather [hbm4b:s2+s17], $0x80, s25, s17, $0xb8;
	[tilespmem:$0x1E800] =	vst v63  }
.LBB2_5:
0x3f: {  	_ =	swait.ge [sflag:s19], $0x4000  }
0x40: {  	[sflag:s19] =	ssyncset.done $0x0  }
0x41: {  	s21 =	simm.s32 $0x0;
	[sflag:s19] =	ssyncadd.s32 $0xFFFFC000  }
0x42: {  	[tilespmem:s15], [sflag:$0x5] =	stream.linear.gather [hbm4b:s9+s21], $0x1400, $0x38;
	[tilespmem:$0x1E800] =	vst v63  }
0x43: {  	_ =	swait.ge [sflag:s14], $0x1400  }
0x44: {  	[sflag:s14] =	ssyncset.done $0x0  }
0x45: {  	[sflag:s14] =	ssyncadd.s32 $0xFFFFEC00  }
0x46: {  	[tilespmem:s16], [sflag:$0x5] =	stream.linear.gather [hbm4b:s10+s21], $0x1400, $0x38;
	[tilespmem:$0x1E800] =	vst v63  }
.Ltmp6:
0x47: {  	_ = 	snop;
	(pc) =	sbr.rel .LBB2_6-.Ltmp6, $4  }
0x48: {  	_ =	swait.ge [sflag:s14], $0x1400  }
0x49: {  	[sflag:s14] =	ssyncset.done $0x0  }
0x4a: {  	[sflag:s14] =	ssyncadd.s32 $0xFFFFEC00  }
0x4b: {  	[tilespmem:s18], [sflag:$0x1] =	stream.indirect.gather [hbm4b:s2+s17], $0x80, s15, s17, $0xb8;
	[tilespmem:$0x1E800] =	vst v63  }
.LBB2_8:
0x4c: {  	s24 =	sadd.s32 $0x1, s22;
	s25 =	sshll.u32 s22, $0xE;
	p0 =	slt.u32 s23, $0x28  }
.Ltmp7:
0x4d: {  	s21 =	sshll.u32 s21, $0x7;
	_ =	swait.ge [sflag:s24], $0x4000;
	(pc) =	sbr.rel @!p0 .LBB2_9-.Ltmp7, $4  }
0x4e: {  	s31 =	sadd.s32 $0x3, s22;
	s21 =	sand.u32 $0x3FFFFF80, s21;
	[sflag:s24] =	ssyncset.done $0x0  }
0x4f: {  	s25 =	sadd.s32 $0x16800, s25;
	s21 =	sadd.s32 $0x15400, s21;
	[sflag:s24] =	ssyncadd.s32 $0xFFFFC000  }
0x50: {  	[spmem:s3] =	stream.indirect.scatter.add.f32 [tilespmem:s25], [sflag:s31], $0x80, s21, s17, $0xb8;
	[tilespmem:$0x1E800] =	vst v63  }
0x51: {  	s21 =	smov.u32 s23  }
.LBB2_6:
0x52: {  	p0 =	seq.s32 s21, $0x0  }
0x53: {  	p1 =	seq.s32 @!p0 s21, $0x27  }
0x54: {  	s22 =	sand.u32 $0x1, s21;
	p1 =	por p0, !p1  }
.Ltmp8:
0x55: {  	s24 =	sxor.u32 $0x1, s22;
	(pc) =	sbr.rel @!p1 .LBB2_8-.Ltmp8, $4  }
0x56: {  	s23 =	sadd.s32 @!p0 $0x3, s24  }
0x57: {  	_ =	swait.ge @!p0 [sflag:s23], $0x4000  }
0x58: {  	[sflag:s23] =	ssyncset.done @!p0 $0x0  }
0x59: {  	[sflag:s23] =	ssyncadd.s32 @!p0 $0xFFFFC000;
	s23 =	simm.s32 @!p0 $0x28  }
0x5a: {  	s23 =	sadd.s32 @!p0 $0x1, s21  }
.Ltmp9:
0x5b: {  	s23 =	simm.s32 @p0 $0x1;
	(pc) =	sbr.rel .LBB2_8-.Ltmp9, $4  }
0x5c: {  	s25 =	sshll.u32 s23, $0x7  }
0x5d: {  	s26 =	sshll.u32 s24, $0xE;
	s25 =	sand.u32 $0x3FFFFF80, s25  }
0x5e: {  	s31 =	sadd.s32 $0x1, s24;
	s26 =	sadd.s32 $0x16800, s26;
	s25 =	sadd.s32 $0x14000, s25  }
0x5f: {  	[tilespmem:s26], [sflag:s31] =	stream.indirect.gather [hbm4b:s2+s17], $0x80, s25, s17, $0xb8;
	[tilespmem:$0x1E800] =	vst v63  }
.LBB2_10:
0x60: {  	_ =	sfence.sel $0x180000  }
0x61: {  	[bflag:$0x0] =	sbarrier.arrive $0xFFFF  }
0x62: {  	p0 =	sne.s32 s1, $0x0;
	_ =	strace $0x9000004D  }
0x63: {  	s0 =	sadd.s32 @!p0 $0x100000, s0;
	[bflag:$0x2] =	sbarrier.arrive $0xFFFF  }
0x64: {  	[sflag:s0] =	ssyncadd.tile.s32 @!p0 $0x1;
	_ =	shalt  }
.Lfunc_end2:
_tile_overlayer_lowered:
.L_overlay_start_2:
0x65: {  	(tag) =	ssettag $0x2  }
0x66: {  	s0 =	rddreg [dreg:$0x0];
	s2 =	stileid.u32  }
0x67: {  	s1 =	rddreg [dreg:$0x1];
	p0 =	sne.s32 s2, $0x0  }
0x68: {  	s3 =	rddreg [dreg:$0x2];
	[bflag:$0x3] =	sbarrier.arrive $0xFFFF;
	s2 =	simm.s32 @!p0 $0x1C05  }
0x69: {  	[timem:s3], [sflag:s2] =	dma.local @!p0 [hbm:s0], s1  }
0x6a: {  	s0 =	simm.s32 @!p0 $0x5  }
0x6b: {  	_ =	swait.ge @!p0 [sflag:s0], s1  }
0x6c: {  	s1 =	ssub.s32 @!p0 $0x0, s1;
	[sflag:s0] =	ssyncset.done @!p0 $0x0  }
0x6d: {  	[sflag:s0] =	ssyncadd.s32 @!p0 s1  }
0x6e: {  	[bflag:$0x3] =	sbarrier.arrive $0xFFFF  }
0x6f: {  	_ =	shalt  }

// kernel: kernel.8.cloned.1.call-start
scs
__scs_entry_jumppad:
0x0: {  	(pc) =	sbr.rel $0x88, $3  }
0x1: {  	(tag) =	ssettag $0x0;
	lr =	simm.s32 $0x1  }
0x2: {  	[smem:$0x3F9B] =	sst lr;
	_ =	strace $0xD0000000  }
0x3: {  	_ = 	snop  }
0x4: {  	_ = 	snop  }
0x5: {  	_ = 	snop  }
0x6: {  	_ = 	snop  }
0x7: {  	_ = 	snop  }
__scs_overlays_trampoline_lowered:
0x8: {  	[smem:$0x3FAA] =	sst s0  }
0x9: {  	[smem:$0x3FAB] =	sst s1  }
0xa: {  	[smem:$0x3FAC] =	sst s2  }
0xb: {  	[smem:$0x3FAD] =	sst s3  }
0xc: {  	[smem:$0x3FAE] =	sst s4  }
0xd: {  	[smem:$0x3FAF] =	sst s5  }
0xe: {  	[smem:$0x3FB0] =	sst s6  }
0xf: {  	[smem:$0x3FB1] =	sst s7  }
0x10: {  	[smem:$0x3FB2] =	sst s8  }
0x11: {  	[smem:$0x3FB3] =	sst s9;
	s0 =	simm.s32 @!p0 $0x0  }
0x12: {  	s1 =	sld [smem:$0x3F99];
	s0 =	simm.s32 @p0 $0x1  }
0x13: {  	[smem:$0x3FB4] =	sst s0;
	s0 =	simm.s32 @!p1 $0x0  }
0x14: {  	s2 =	sld [smem:$0x3F98];
	s0 =	simm.s32 @p1 $0x1  }
0x15: {  	[smem:$0x3FB5] =	sst s0;
	s0 =	simm.s32 @!p2 $0x0  }
0x16: {  	s3 =	sld [smem:$0x3FDB];
	s0 =	simm.s32 @p2 $0x1  }
0x17: {  	s4 =	simm.s32 $0x1BF5;
	[smem:$0x3FB7] =	sst s0  }
0x18: {  	s0 =	sld [smem:$0x3F9A];
	_ =	swait.ge [sflag:s4], $0x0  }
0x19: {  	s7 =	sld [smem:$0x3F9B]  }
0x1a: {  	s8 =	sadd.s32 $0xFFFFE003, lr  }
0x1b: {  	s9 =	sadd.s32 $0xFFFFFEF7, lr;
	s5 =	simm.s32 $0xFFFFFFFF;
	p2 =	slt.u32 s8, $0xFFFFF086  }
0x1c: {  	p1 =	slt.u32 s9, $0xF7A;
	s5 =	simm.s32 @!p2 $0x0  }
0x1d: {  	s5 =	simm.s32 @p1 $0x1;
	p0 =	seq.s32 s7, s2  }
0x1e: {  	s7 =	smul.u32 @!p0 $0xF7A, s2;
	p2 =	seq.s32 @!p0 s5, $0x0  }
0x1f: {  	s9 =	smul.u32 $0xF7A, s1;
	s8 =	simm.s32 @!p0 $0x1BF5;
	p2 =	por !p2, p0  }
0x20: {  	[sflag:s8] =	ssyncset.s32 @!p0 $0xFFFFF086;
	s6 =	sadd.s32 @!p0 s3, s7;
	s7 =	simm.s32 @!p0 $0x108  }
0x21: {  	s3 =	sadd.s32 s3, s9;
	s6 =	sadd.s32 @!p0 $0x88, s6;
	s7 =	simm.s32 @p2 $0x1082  }
0x22: {  	[simem:s7], [sflag:s8] =	dma.local @!p0 [hbm:s6], $0xF7A  }
0x23: {  	s9 =	sor.u32 $0xD0000000, s2;
	s6 =	simm.s32 $0x108;
	_ =	swait.ge @!p0 [sflag:s8], $0x0  }
0x24: {  	s3 =	sadd.s32 $0x88, s3;
	s6 =	simm.s32 @!p1 $0x1082;
	[sflag:s4] =	ssyncset.s32 $0xFFFFF086  }
0x25: {  	[simem:s6], [sflag:s4] =	dma.local [hbm:s3], $0xF7A  }
0x26: {  	[smem:$0x3F9B] =	sst s1;
	(tag) =	ssettag s2;
	_ =	strace s9  }
0x27: {  	s1 =	sld [smem:$0x3FAB]  }
0x28: {  	s2 =	sld [smem:$0x3FAC]  }
0x29: {  	s4 =	sld [smem:$0x3FAE]  }
0x2a: {  	p0 =	seq.s32 s5, $0x0;
	s5 =	sld [smem:$0x3FAF]  }
0x2b: {  	s6 =	sld [smem:$0x3FB0]  }
0x2c: {  	s7 =	sld [smem:$0x3FB1]  }
0x2d: {  	s3 =	simm.s32 $0x108;
	s8 =	sld [smem:$0x3FB2]  }
0x2e: {  	s3 =	simm.s32 @!p0 $0x1082;
	s9 =	sld [smem:$0x3FB3]  }
0x2f: {  	lr =	sadd.s32 s0, s3;
	s0 =	sld [smem:$0x3FAA]  }
0x30: {  	s3 =	sld [smem:$0x3FAD]  }
0x31: {  	[smem:$0x3FB6] =	sst s10  }
0x32: {  	s10 =	sld [smem:$0x3FB4];
	_ =	sdelay $0x3  }
0x33: {  	p0 =	seq.s32 s10, $0x1;
	s10 =	sld [smem:$0x3FB6];
	_ =	sdelay $0x3  }
0x34: {  	[smem:$0x3FB6] =	sst s10  }
0x35: {  	s10 =	sld [smem:$0x3FB5];
	_ =	sdelay $0x3  }
0x36: {  	p1 =	seq.s32 s10, $0x1;
	s10 =	sld [smem:$0x3FB6];
	_ =	sdelay $0x3  }
0x37: {  	[smem:$0x3FB6] =	sst s10  }
0x38: {  	s10 =	sld [smem:$0x3FB7]  }
0x39: {  	_ = 	snop;
	(pc) =	sbr.ind lr, $3  }
0x3a: {  	_ = 	snop  }
0x3b: {  	_ = 	snop  }
0x3c: {  	p2 =	seq.s32 s10, $0x1;
	s10 =	sld [smem:$0x3FB6]  }
0x3d: {  	_ =	shalt  }
0x3e: {  	_ =	shalt  }
0x3f: {  	_ =	shalt  }
0x40: {  	_ =	shalt  }
0x41: {  	_ =	shalt  }
0x42: {  	_ =	shalt  }
0x43: {  	_ =	shalt  }
0x44: {  	_ =	shalt  }
0x45: {  	_ =	shalt  }
0x46: {  	_ =	shalt  }
0x47: {  	_ =	shalt  }
0x48: {  	_ =	shalt  }
0x49: {  	_ =	shalt  }
0x4a: {  	_ =	shalt  }
0x4b: {  	_ =	shalt  }
0x4c: {  	_ =	shalt  }
0x4d: {  	_ =	shalt  }
0x4e: {  	_ =	shalt  }
0x4f: {  	_ =	shalt  }
0x50: {  	_ =	shalt  }
0x51: {  	_ =	shalt  }
0x52: {  	_ =	shalt  }
0x53: {  	_ =	shalt  }
0x54: {  	_ =	shalt  }
0x55: {  	_ =	shalt  }
0x56: {  	_ =	shalt  }
0x57: {  	_ =	shalt  }
0x58: {  	_ =	shalt  }
0x59: {  	_ =	shalt  }
0x5a: {  	_ =	shalt  }
0x5b: {  	_ =	shalt  }
0x5c: {  	_ =	shalt  }
0x5d: {  	_ =	shalt  }
0x5e: {  	_ =	shalt  }
0x5f: {  	_ =	shalt  }
0x60: {  	_ =	shalt  }
0x61: {  	_ =	shalt  }
0x62: {  	_ =	shalt  }
0x63: {  	_ =	shalt  }
0x64: {  	_ =	shalt  }
0x65: {  	_ =	shalt  }
0x66: {  	_ =	shalt  }
0x67: {  	_ =	shalt  }
0x68: {  	_ =	shalt  }
0x69: {  	_ =	shalt  }
0x6a: {  	_ =	shalt  }
0x6b: {  	_ =	shalt  }
0x6c: {  	_ =	shalt  }
0x6d: {  	_ =	shalt  }
0x6e: {  	_ =	shalt  }
0x6f: {  	_ =	shalt  }
0x70: {  	_ =	shalt  }
0x71: {  	_ =	shalt  }
0x72: {  	_ =	shalt  }
0x73: {  	_ =	shalt  }
0x74: {  	_ =	shalt  }
0x75: {  	_ =	shalt  }
0x76: {  	_ =	shalt  }
0x77: {  	_ =	shalt  }
0x78: {  	_ =	shalt  }
0x79: {  	_ =	shalt  }
0x7a: {  	_ =	shalt  }
0x7b: {  	_ =	shalt  }
0x7c: {  	_ =	shalt  }
0x7d: {  	_ =	shalt  }
0x7e: {  	_ =	shalt  }
0x7f: {  	_ =	shalt  }
0x80: {  	_ =	shalt  }
0x81: {  	_ =	shalt  }
0x82: {  	_ =	shalt  }
0x83: {  	_ =	shalt  }
0x84: {  	_ =	shalt  }
0x85: {  	_ =	shalt  }
0x86: {  	_ =	shalt  }
0x87: {  	_ =	shalt  }
.Lfunc_end0:
.L_simem_size_0:
called_computation_lowered:
.L_overlay_start_0:
0x88: {  	s2 =	sld [smem:$0x3FD9]  }
0x89: {  	s3 =	sld [smem:$0x3FFE];
	_ =	sdelay $0x1  }
0x8a: {  	s1 =	srdreg.scid  }
0x8b: {  	s0 =	sand.u32 $0x1, s1  }
0x8c: {  	s17 =	sshll.u32 s0, $0xA;
	s2 =	sadd.s32 s3, s2  }
0x8d: {  	s2 =	sadd.s32 s2, s17  }
0x8e: {  	[smem:$0x3FC2] =	sst s2  }
0x8f: {  	_ = 	snop  }
0x90: {  	s2 =	sld [smem:$0x3FD0];
	(tm) =	ssettm $0x1  }
0x91: {  	s18 =	sld [smem:$0x3FFB];
	_ =	sdelay $0x3  }
0x92: {  	_ =	strace s18  }
0x93: {  	s3 =	sld [smem:$0x3FFC];
	_ =	sdelay $0x3  }
0x94: {  	_ =	strace s3  }
0x95: {  	s3 =	sld [smem:$0x3FFD];
	_ =	sdelay $0x3  }
0x96: {  	_ =	strace s3  }
0x97: {  	_ =	strace $0x8FFFFFFF  }
0x98: {  	s19 =	sld [smem:$0x3FDB];
	_ =	sdelay $0x1  }
0x99: {  	s4 =	simm.s32 $_scs_section_size  }
0x9a: {  	s5 =	simm.s32 $_size__tile_overlayer_lowered;
	s6 =	simm.s32 $_tile_overlayer_lowered  }
0x9b: {  	s22 =	simm.s32 $0x1BFF;
	s21 =	sshll.u32 s6, $0x1;
	s3 =	sadd.s32 s4, s19  }
0x9c: {  	s7 =	simm.s32 $0x0;
	s20 =	sshll.u32 s5, $0x1;
	s5 =	sadd.s32 s21, s3  }
0x9d: {  	[timem:s7], [sflag:s22] =	dma.local [hbm:s5], s20  }
0x9e: {  	_ =	swait.ge [sflag:s22], s20  }
0x9f: {  	s4 =	ssub.s32 $0x0, s20;
	[sflag:s22] =	ssyncset.done $0x0  }
0xa0: {  	[sflag:s22] =	ssyncadd.s32 s4;
	_ =	sdelay $0x1  }
0xa1: {  	s23 =	simm.s32 $0x1B8B  }
0xa2: {  	_ =	swait.ge [sflag:s23], $0x1  }
0xa3: {  	[sflag:s23] =	ssyncset.done $0x0  }
0xa4: {  	s25 =	simm.s32 $0x1B8E;
	s24 =	sld [smem:$0x3FFE];
	[sflag:s23] =	ssyncadd.s32 $0xFFFFFFFF  }
0xa5: {  	s26 =	simm.s32 $execute0_lowered;
	[smem:$0x3FD2] =	sst s25  }
0xa6: {  	s5 =	sshll.u32 s26, $0x1;
	_ =	strace $0x80000046;
	[dreg:$0x1] =	wrdreg $0xFFFFFFFF  }
0xa7: {  	s28 =	simm.s32 $_size_execute0_lowered;
	s3 =	sadd.s32 s3, s5;
	[dreg:$0x0] =	wrdreg $0x0  }
0xa8: {  	s5 =	sshll.u32 s28, $0x1;
	[dreg:$0x2] =	wrdreg s3  }
0xa9: {  	[dreg:$0x3] =	wrdreg s5  }
0xaa: {  	[dreg:$0x4] =	wrdreg $0xC0  }
0xab: {  	_ =	task [dreg:s7], $0x5FFFF  }
0xac: {  	[dreg:$0x1] =	wrdreg $0xFFFFFFFF  }
0xad: {  	[dreg:$0x0] =	wrdreg $0x60  }
0xae: {  	[dreg:$0x2] =	wrdreg s24  }
0xaf: {  	[dreg:$0x3] =	wrdreg s2  }
0xb0: {  	[dreg:$0x4] =	wrdreg $0x0  }
0xb1: {  	[dreg:$0x5] =	wrdreg $0x9  }
0xb2: {  	_ =	task.clear_ibuf [dreg:s7], $0x6FFFF;
	_ =	strace $0x90000046  }
0xb3: {  	s29 =	simm.s32 $0x9;
	_ =	strace $0x80000048  }
0xb4: {  	_ =	swait.ge [sflag:s29], $0x1  }
0xb5: {  	[sflag:s29] =	ssyncadd.s32 $0xFFFFFFFF  }
0xb6: {  	_ =	strace $0x90000048  }
0xb7: {  	_ =	sfence  }
0xb8: {  	s30 =	sld [smem:$0x0];
	_ =	sdelay $0x2  }
0xb9: {  	s31 =	sshll.u32 s1, $0xD;
	s1 =	sshrl.u32 s1, $0x2  }
0xba: {  	s3 =	sand.u32 $0x4000, s31;
	s1 =	sadd.s32 s1, s30  }
0xbb: {  	s0 =	sor.u32 s3, s0;
	s1 =	sshll.u32 s1, $0x11  }
0xbc: {  	s0 =	sor.u32 s1, s0  }
0xbd: {  	s0 =	sadd.s32 $0x8F2B, s0  }
0xbe: {  	[sflag:s0] =	ssyncadd.remote.s32 $0x1  }
0xbf: {  	_ =	sfence.sel $0xFFFF  }
0xc0: {  	[dreg:$0x0] =	wrdreg $0xFFFFFFFF;
	(pc) =	sbr.abs _section_cstart, $3  }
0xc1: {  	[dreg:$0x1] =	wrdreg $0xFFFFFFFF  }
0xc2: {  	_ =	task.clear_ibuf [dreg:s7], $0x2FFFF;
	_ =	strace $0x9FFFFFFF  }
0xc3: {  	(tm) =	ssettm $0x7FFFFFFF  }
tec
execute0_lowered:
.L_overlay_start_1:
0x0: {  	(tag) =	ssettag $0x1  }
0x1: {  	s1 =	srdreg.scid;
	s5 =	rddreg [dreg:$0x0]  }
0x2: {  	s0 =	stileid.u32;
	s2 =	rddreg [dreg:$0x1]  }
0x3: {  	s3 =	rddreg [dreg:$0x2];
	s4 =	simm.s32 $0x0;
	s13 =	simm.s32 $0x14000  }
0x4: {  	s14 =	simm.s32 $0x80;
	s15 =	simm.s32 $0x1;
	s16 =	simm.s32 $0x0  }
0x5: {  	s6 =	sand.u32 $0x1, s1;
	s28 =	sshll.u32 s0, $0x1;
	s8 =	smul.u32 $0x14000, s0  }
0x6: {  	[smem:$0x7FF] =	sst s4;
	s29 =	smul.u32 $0x50000, s0;
	s31 =	sshll.u32 s0, $0x6  }
0x7: {  	s1 =	sor.u32 s6, s28;
	s9 =	smul.u32 $0x140000, s6;
	s6 =	ssub.s32 $0x2, s6  }
0x8: {  	s7 =	smul.u32 $0x500, s1;
	s1 =	rddreg [dreg:$0x3];
	_ =	strace $0x80000047  }
0x9: {  	s10 =	sshrl.u32 s8, $0x3;
	s30 =	sshrl.u32 s6, $0x1;
	s8 =	sadd.s32 s8, s9  }
0xa: {  	s10 =	sadd.s32 s10, s5;
	s9 =	sshrl.u32 s29, $0x2;
	s11 =	ssub.s32 s6, s30  }
0xb: {  	s6 =	sor.u32 $0x1C02, s31;
	s7 =	sadd.s32 s7, s5;
	s8 =	sshrl.u32 s8, $0x3  }
0xc: {  	s12 =	sadd.s32 s9, s3;
	s9 =	smax.u32 s11, $0x1;
	s11 =	simm.s32 $0x2  }
0xd: {  	s8 =	sadd.s32 s8, s5;
	s5 =	sadd.s32 $0x16800, s10;
	s7 =	sadd.s32 $0x2800, s7  }
0xe: {  	s10 =	sshrl.u32 s12, $0x3;
	s12 =	simm.s32 $0x16800;
	s8 =	sadd.s32 $0x3E800, s8  }
.LBB2_1:
0xf: {  	[spmem:s10], [sflag:s6] =	dma.local [hbm:s5], $0x2800  }
0x10: {  	_ =	swait.ge [sflag:s11], $0x2800  }
0x11: {  	[sflag:s11] =	ssyncset.done $0x0  }
0x12: {  	[sflag:s11] =	ssyncadd.s32 $0xFFFFD800  }
0x13: {  	[tilespmem:s12], [sflag:$0x2] =	stream.linear.gather [hbm4b:s2+s4], $0x4000, $0x38;
	[tilespmem:$0x1A800] =	vst v63  }
0x14: {  	_ =	swait.ge [sflag:s11], $0x4000  }
0x15: {  	[sflag:s11] =	ssyncset.done $0x0  }
0x16: {  	[sflag:s11] =	ssyncadd.s32 $0xFFFFC000  }
0x17: {  	[tilespmem:s13], [sflag:$0x2] =	stream.linear.gather [hbm4b:s7+s4], $0x2800, $0x38;
	[tilespmem:$0x1A800] =	vst v63  }
0x18: {  	_ =	swait.ge [sflag:s11], $0x2800  }
0x19: {  	[sflag:s11] =	ssyncset.done $0x0  }
0x1a: {  	[sflag:s11] =	ssyncadd.s32 $0xFFFFD800  }
0x1b: {  	s17 =	simm.s32 $0x0;
	[bflag:$0x0] =	sbarrier.arrive $0xFFFF  }
.LBB2_2:
0x1c: {  	p0 =	sne.s32 s17, $0x9E00  }
.Ltmp0:
0x1d: {  	_ = 	snop;
	(pc) =	sbr.rel @p0 .LBB2_2-.Ltmp0, $4  }
0x1e: {  	_ = 	snop  }
0x1f: {  	s18 =	sshra.s32 s17, $0x2  }
0x20: {  	s17 =	sadd.s32 $0x200, s17;
	s18 =	sadd.s32 $0x14000, s18  }
0x21: {  	[spmem:s3] =	stream.indirect.scatter.add.f32 [tilespmem:s12], [sflag:$0x1], $0x80, s18, s14, $0xb8;
	[tilespmem:$0x1A800] =	vst v63  }
0x22: {  	_ =	swait.ge [sflag:s15], $0x4000  }
0x23: {  	s17 =	simm.s32 $0x4F;
	[sflag:s15] =	ssyncset.done $0x0  }
.LBB2_4:
0x24: {  	p0 =	sne.s32 s17, $0x1;
	s17 =	sadd.s32 $0xFFFFFFFF, s17;
	[sflag:s15] =	ssyncadd.s32 $0xFFFFC000  }
.Ltmp1:
0x25: {  	(pc) =	sbr.rel @p0 .LBB2_4-.Ltmp1, $3  }
0x26: {  	_ =	sdelay $0x1  }
0x27: {  	_ =	swait.ge [sflag:s15], $0x4000  }
0x28: {  	[sflag:s15] =	ssyncset.done $0x0  }
0x29: {  	s16 =	sadd.s32 $0x1, s16  }
0x2a: {  	[sflag:s15] =	ssyncadd.s32 $0xFFFFC000;
	p0 =	sne.s32 s16, s9  }
.Ltmp2:
0x2b: {  	[bflag:$0x0] =	sbarrier.arrive $0xFFFF;
	(pc) =	sbr.rel @p0 .LBB2_1-.Ltmp2, $4  }
0x2c: {  	[hbm:s8], [sflag:s6] =	dma.local [spmem:s10], $0x2800  }
0x2d: {  	_ =	swait.ge [sflag:s11], $0x2800  }
0x2e: {  	[sflag:s11] =	ssyncset.done $0x0  }
0x2f: {  	[sflag:s11] =	ssyncadd.s32 $0xFFFFD800  }
0x30: {  	_ =	sfence.sel $0x180000  }
0x31: {  	[bflag:$0x0] =	sbarrier.arrive $0xFFFF  }
0x32: {  	p0 =	sne.s32 s0, $0x0;
	_ =	strace $0x90000047  }
0x33: {  	s0 =	sadd.s32 @!p0 $0x100000, s1;
	[bflag:$0x2] =	sbarrier.arrive $0xFFFF  }
0x34: {  	[sflag:s0] =	ssyncadd.tile.s32 @!p0 $0x1;
	_ =	shalt  }
.Lfunc_end2:
_tile_overlayer_lowered:
.L_overlay_start_2:
0x35: {  	(tag) =	ssettag $0x2  }
0x36: {  	s0 =	rddreg [dreg:$0x0];
	s2 =	stileid.u32  }
0x37: {  	s1 =	rddreg [dreg:$0x1];
	p0 =	sne.s32 s2, $0x0  }
0x38: {  	s3 =	rddreg [dreg:$0x2];
	[bflag:$0x3] =	sbarrier.arrive $0xFFFF;
	s2 =	simm.s32 @!p0 $0x1C02  }
0x39: {  	[timem:s3], [sflag:s2] =	dma.local @!p0 [hbm:s0], s1  }
0x3a: {  	s0 =	simm.s32 @!p0 $0x2  }
0x3b: {  	_ =	swait.ge @!p0 [sflag:s0], s1  }
0x3c: {  	s1 =	ssub.s32 @!p0 $0x0, s1;
	[sflag:s0] =	ssyncset.done @!p0 $0x0  }
0x3d: {  	[sflag:s0] =	ssyncadd.s32 @!p0 s1  }
0x3e: {  	[bflag:$0x3] =	sbarrier.arrive $0xFFFF  }
0x3f: {  	_ =	shalt  }

</sc_bundles>
